<compile_context>
chip_gen: v7x
topology: tpu7x:2x2x1
jax: 0.10.2.dev20260603
libtpu: 0.0.44.dev20260713+nightly
codegen_flags: <defaults>
</compile_context>

<pallas_src>
import functools

import jax
import jax.numpy as jnp
from jax import lax
from jax.experimental import pallas as pl
from jax.experimental.pallas import tpu as pltpu
from jax.experimental.pallas import tpu_sc as plsc

N = 10000
E = 320000
D = 128
C = 40

NC = 2
NS = 16
NW = NC * NS
B = 128

NP = 10240
RPT = NP // NS

NB = -(-E // (NW * B))
EPT = NB * B
REAL_PT = E // NW
PAD_PT = EPT - REAL_PT


@functools.cache
def _get_mesh():
    return plsc.VectorSubcoreMesh(
        core_axis_name="c", subcore_axis_name="s", num_cores=NC, num_subcores=NS
    )


@functools.cache
def _get_sc_deg():
    return pl.kernel(
        _sc_deg_body,
        out_type=jax.ShapeDtypeStruct((NC, NP), jnp.float32),
        mesh=_get_mesh(),
        scratch_types=[
            pltpu.VMEM((B,), jnp.float32),
            pltpu.VMEM((B,), jnp.int32),
            pltpu.VMEM_SHARED((NP,), jnp.float32),
        ],
    )


def _sc_deg_body(dst_hbm, zeros_hbm, out_hbm, ones_v, dst_v, deg_sh):
    c = lax.axis_index("c")
    s = lax.axis_index("s")
    wid = c * NS + s
    r0 = s * RPT
    pltpu.sync_copy(zeros_hbm.at[pl.ds(r0, RPT)], deg_sh.at[pl.ds(r0, RPT)])
    for i in range(B // 16):
        ones_v[pl.ds(i * 16, 16)] = jnp.ones((16,), jnp.float32)
    plsc.subcore_barrier()

    base = wid * EPT

    def body(b, carry):
        off = pl.multiple_of(base + b * B, B)
        pltpu.sync_copy(dst_hbm.at[pl.ds(off, B)], dst_v)
        pltpu.sync_copy(ones_v, deg_sh.at[dst_v], add=True)
        return carry

    lax.fori_loop(0, NB, body, 0)
    plsc.subcore_barrier()
    pltpu.sync_copy(deg_sh.at[pl.ds(r0, RPT)], out_hbm.at[c, pl.ds(r0, RPT)])


@functools.cache
def _get_sc_pass():
    return pl.kernel(
        _sc_pass_body,
        out_type=jax.ShapeDtypeStruct((NC, NP, D), jnp.float32),
        mesh=_get_mesh(),
        scratch_types=[
            pltpu.VMEM((B,), jnp.int32),
            pltpu.VMEM((B,), jnp.int32),
            pltpu.VMEM((B, D), jnp.float32),
            pltpu.VMEM_SHARED((NP, D), jnp.float32),
            pltpu.SemaphoreType.DMA,
        ],
    )


def _sc_pass_body(u_hbm, src_hbm, dst_hbm, zeros_hbm, out_hbm,
                  src_v, dst_v, rows, out_sh, gsem):
    c = lax.axis_index("c")
    s = lax.axis_index("s")
    wid = c * NS + s

    r0 = s * RPT
    pltpu.sync_copy(zeros_hbm.at[pl.ds(r0, RPT)], out_sh.at[pl.ds(r0, RPT)])
    plsc.subcore_barrier()

    base = wid * EPT

    def body(b, carry):
        off = pl.multiple_of(base + b * B, B)
        pltpu.sync_copy(src_hbm.at[pl.ds(off, B)], src_v)
        pltpu.sync_copy(dst_hbm.at[pl.ds(off, B)], dst_v)
        pltpu.async_copy(u_hbm.at[src_v], rows, gsem).wait()
        pltpu.sync_copy(rows, out_sh.at[dst_v], add=True)
        return carry

    lax.fori_loop(0, NB, body, 0)
    plsc.subcore_barrier()

    pltpu.sync_copy(out_sh.at[pl.ds(r0, RPT)], out_hbm.at[c, pl.ds(r0, RPT)])



RB = 1000
G = N // RB


def _dinv_from(dp_blk):
    deg = jnp.sum(dp_blk, axis=1) + 1.0
    return lax.rsqrt(deg), deg


def _scale_x_body(x_ref, dp_ref, o_ref):
    dinv, _ = _dinv_from(dp_ref[...])
    o_ref[...] = x_ref[...] * dinv[:, None]


def _combine_body(s_ref, dp_ref, u_ref, o_ref):
    _, deg = _dinv_from(dp_ref[...])
    s_tot = s_ref[0] + s_ref[1] + u_ref[...]
    o_ref[...] = s_tot * (1.0 / deg)[:, None]


def _conv_body(s_ref, dp_ref, u_ref, w_ref, b_ref, o_ref):
    dinv, _ = _dinv_from(dp_ref[...])
    y = (s_ref[0] + s_ref[1] + u_ref[...]) * dinv[:, None]
    h = lax.dot_general(y, w_ref[...], (((1,), (1,)), ((), ())),
                        preferred_element_type=jnp.float32)
    h = jnp.maximum(h + b_ref[...], 0.0)
    o_ref[...] = h * dinv[:, None]


def _final_body(s_ref, dp_ref, u_ref, w2_ref, b2_ref, w3_ref, b3_ref, o_ref):
    dinv, _ = _dinv_from(dp_ref[...])
    y = (s_ref[0] + s_ref[1] + u_ref[...]) * dinv[:, None]
    h = lax.dot_general(y, w2_ref[...], (((1,), (1,)), ((), ())),
                        preferred_element_type=jnp.float32)
    h = jnp.maximum(h + b2_ref[...], 0.0)
    h = lax.dot_general(h, w3_ref[...], (((1,), (1,)), ((), ())),
                        preferred_element_type=jnp.float32)
    h = h + b3_ref[...]
    m = jnp.max(h, axis=1, keepdims=True)
    lse = jnp.log(jnp.sum(jnp.exp(h - m), axis=1, keepdims=True)) + m
    o_ref[...] = h - lse


def _row_spec(d):
    return pl.BlockSpec((RB, d), lambda i: (i, 0))


_S_SPEC = pl.BlockSpec((2, RB, D), lambda i: (0, i, 0))
_DP_SPEC = pl.BlockSpec((RB, NC), lambda i: (i, 0))
_FULL = lambda a, b: pl.BlockSpec((a, b), lambda i: (0, 0))


def _scale_x(x, dp):
    return pl.pallas_call(
        _scale_x_body,
        grid=(G,),
        in_specs=[_row_spec(D), _DP_SPEC],
        out_specs=_row_spec(D),
        out_shape=jax.ShapeDtypeStruct((N, D), jnp.float32),
    )(x, dp)


def _combine(s, dp, u):
    return pl.pallas_call(
        _combine_body,
        grid=(G,),
        in_specs=[_S_SPEC, _DP_SPEC, _row_spec(D)],
        out_specs=_row_spec(D),
        out_shape=jax.ShapeDtypeStruct((N, D), jnp.float32),
    )(s, dp, u)


def _conv(s, dp, u, w, b):
    return pl.pallas_call(
        _conv_body,
        grid=(G,),
        in_specs=[_S_SPEC, _DP_SPEC, _row_spec(D), _FULL(D, D), _FULL(1, D)],
        out_specs=_row_spec(D),
        out_shape=jax.ShapeDtypeStruct((N, D), jnp.float32),
    )(s, dp, u, w, b)


def _final(s, dp, u, w2, b2, w3, b3):
    return pl.pallas_call(
        _final_body,
        grid=(G,),
        in_specs=[_S_SPEC, _DP_SPEC, _row_spec(D), _FULL(D, D), _FULL(1, D),
                  _FULL(C, D), _FULL(1, C)],
        out_specs=_row_spec(C),
        out_shape=jax.ShapeDtypeStruct((N, C), jnp.float32),
    )(s, dp, u, w2, b2, w3, b3)



def kernel(x, edge_index, W1, b1, W2, b2, W3, b3):
    src = edge_index[0]
    dst = edge_index[1]
    srcp = jnp.concatenate(
        [src.reshape(NW, REAL_PT), jnp.zeros((NW, PAD_PT), jnp.int32)],
        axis=1).reshape(-1)
    tile_bins = (N + jnp.arange(NW, dtype=jnp.int32))[:, None]
    dstp = jnp.concatenate(
        [dst.reshape(NW, REAL_PT),
         jnp.broadcast_to(tile_bins, (NW, PAD_PT))], axis=1).reshape(-1)
    zeros = jnp.zeros((NP, D), jnp.float32)
    zeros1 = jnp.zeros((NP,), jnp.float32)
    b1r = b1.reshape(1, D)
    b2r = b2.reshape(1, D)
    b3r = b3.reshape(1, C)

    sc_deg = _get_sc_deg()
    sc_pass = _get_sc_pass()

    dp = sc_deg(dstp, zeros1)[:, :N].T

    u1 = _scale_x(x, dp)
    s1 = sc_pass(u1, srcp, dstp, zeros)[:, :N]
    u2 = _combine(s1, dp, u1)
    s2 = sc_pass(u2, srcp, dstp, zeros)[:, :N]
    u3 = _conv(s2, dp, u2, W1, b1r)
    s3 = sc_pass(u3, srcp, dstp, zeros)[:, :N]
    u4 = _combine(s3, dp, u3)
    s4 = sc_pass(u4, srcp, dstp, zeros)[:, :N]
    return _final(s4, dp, u4, W2, b2r, W3, b3r)

# --- scband reference (transcript-rebuilt; emitter-appended) ---
"""Pipeline reference for scband-sgc-custom-7722351198606 (READ-ONLY COPY).

The authoritative reference and input builder live on the scoring server;
editing this copy changes nothing except your own understanding.
"""

import jax, jax.numpy as jnp
import numpy as np

N = 10000
E = 320000
D = 128
C = 40
K = 2


def sg_propagate(x, src, dst, n, k):
    # SGConv propagation: K hops of D^{-1/2} (A + I) D^{-1/2} x
    loop = jnp.arange(n, dtype=src.dtype)
    src_f = jnp.concatenate([src, loop])
    dst_f = jnp.concatenate([dst, loop])
    deg = jnp.zeros((n,), dtype=x.dtype).at[dst_f].add(1.0)
    dinv = jnp.where(deg > 0, deg ** -0.5, 0.0)
    norm = dinv[src_f] * dinv[dst_f]
    for _ in range(k):
        msgs = norm[:, None] * x[src_f]
        x = jnp.zeros_like(x).at[dst_f].add(msgs)
    return x


def setup_inputs(seed: int = 0):
    key = jax.random.key(seed)
    ks = jax.random.split(key, 8)
    x = jax.random.normal(ks[0], (N, D), dtype=jnp.float32)
    edge_index = jax.random.randint(ks[1], (2, E), 0, N, dtype=jnp.int32)
    s1 = 1.0 / np.sqrt(D)
    W1 = jax.random.normal(ks[2], (D, D), dtype=jnp.float32) * s1
    b1 = jnp.zeros((D,), dtype=jnp.float32)
    W2 = jax.random.normal(ks[3], (D, D), dtype=jnp.float32) * s1
    b2 = jnp.zeros((D,), dtype=jnp.float32)
    W3 = jax.random.normal(ks[4], (C, D), dtype=jnp.float32) * s1
    b3 = jnp.zeros((C,), dtype=jnp.float32)
    return {"x": x, "edge_index": edge_index, "W1": W1, "b1": b1, "W2": W2, "b2": b2, "W3": W3, "b3": b3}


def reference(x, edge_index, W1, b1, W2, b2, W3, b3):
    src = edge_index[0]
    dst = edge_index[1]
    n = x.shape[0]
    # conv1: SGConv(D, D, K=2)
    h = sg_propagate(x, src, dst, n, K)
    h = h @ W1.T + b1
    h = jax.nn.relu(h)
    # dropout is identity in eval mode
    # conv2: SGConv(D, D, K=2)
    h = sg_propagate(h, src, dst, n, K)
    h = h @ W2.T + b2
    h = jax.nn.relu(h)
    # lin1: Linear(D, C)
    h = h @ W3.T + b3
    return jax.nn.log_softmax(h, axis=1)

if __name__ == "__main__":
    import jax
    _d = setup_inputs()
    print(jax.jit(kernel)(*tuple(_d.values())))

</pallas_src>

<mosaic_0001>
#map = affine_map<(d0, d1) -> (0, 0)>
#map1 = affine_map<(d0, d1) -> (0)>
#map2 = affine_map<(d0, d1) -> (0, 0, 0)>
module attributes {stable_mosaic.version = 14 : i64} {
  func.func @_sc_pass_body(%arg0: i32, %arg1: i32, %arg2: memref<10000x128xf32, #tpu.memory_space<hbm>>, %arg3: memref<323584xi32, #tpu.memory_space<hbm>>, %arg4: memref<323584xi32, #tpu.memory_space<hbm>>, %arg5: memref<10240x128xf32, #tpu.memory_space<hbm>>, %arg6: memref<2x10240x128xf32, #tpu.memory_space<hbm>>, %arg7: memref<128xi32, #tpu.memory_space<vmem>>, %arg8: memref<128xi32, #tpu.memory_space<vmem>>, %arg9: memref<128x128xf32, #tpu.memory_space<vmem>>, %arg10: memref<10240x128xf32, #tpu.memory_space<vmem_shared>>, %arg11: memref<!tpu.dma_semaphore, #tpu.memory_space<semaphore_mem>>) attributes {dimension_semantics = [#tpu.dimension_semantics<core_parallel>, #tpu.dimension_semantics<subcore_parallel>], iteration_bounds = array<i64: 2, 16>, scalar_prefetch = 0 : i64, scratch_operands = 5 : i64, tpu.core_type = #tpu.core_type<sc_vector_subcore>, window_params = [{transform_indices = #map}, {transform_indices = #map1}, {transform_indices = #map1}, {transform_indices = #map}, {transform_indices = #map2}]} {
    %mul3A = arith.constant 16 : i32
    %mul3A_0 = arith.muli %arg0, %mul3A : i32
    %add3A = arith.addi %mul3A_0, %arg1 : i32
    %mul3A_1 = arith.constant 640 : i32
    %mul3A_2 = arith.muli %arg1, %mul3A_1 : i32
    "tpu.region"() ({
      %run_scoped3A = tpu.sem_alloc : memref<!tpu.dma_semaphore, #tpu.memory_space<semaphore_mem>>
      %dma_start3A = arith.constant 0 : i32
      %dma_start3A_11 = tpu.memref_slice %arg10[%mul3A_2, %dma_start3A] : memref<10240x128xf32, #tpu.memory_space<vmem_shared>> -> memref<640x128xf32, #tpu.memory_space<vmem_shared>>
      %dma_start3A_12 = arith.constant 0 : i32
      %dma_start3A_13 = tpu.memref_slice %arg5[%mul3A_2, %dma_start3A_12] : memref<10240x128xf32, #tpu.memory_space<hbm>> -> memref<640x128xf32, #tpu.memory_space<hbm>>
      tpu.enqueue_dma source(%dma_start3A_13 : memref<640x128xf32, #tpu.memory_space<hbm>>) target(%dma_start3A_11 : memref<640x128xf32, #tpu.memory_space<vmem_shared>>) target_semaphore(%run_scoped3A : memref<!tpu.dma_semaphore, #tpu.memory_space<semaphore_mem>>)
      %dma_wait3A = arith.constant 0 : i32
      %dma_wait3A_14 = tpu.memref_slice %arg10[%mul3A_2, %dma_wait3A] : memref<10240x128xf32, #tpu.memory_space<vmem_shared>> -> memref<640x128xf32, #tpu.memory_space<vmem_shared>>
      %dma_wait3A_15 = arith.constant 0 : i32
      %dma_wait3A_16 = tpu.memref_slice %arg5[%mul3A_2, %dma_wait3A_15] : memref<10240x128xf32, #tpu.memory_space<hbm>> -> memref<640x128xf32, #tpu.memory_space<hbm>>
      tpu.wait_dma2 semaphore(%run_scoped3A : memref<!tpu.dma_semaphore, #tpu.memory_space<semaphore_mem>>) src(%dma_wait3A_16 : memref<640x128xf32, #tpu.memory_space<hbm>>) dst(%dma_wait3A_14 : memref<640x128xf32, #tpu.memory_space<vmem_shared>>)
      tpu.yield
    }) : () -> ()
    %barrier3A = arith.constant 0 : index
    tpu.barrier barrier_id(%barrier3A)
    %mul3A_3 = arith.constant 10112 : i32
    %mul3A_4 = arith.muli %add3A, %mul3A_3 : i32
    %scan3A = arith.constant 0 : i32
    %scan3A_5 = arith.constant 0 : i32
    %scan3A_6 = arith.constant 79 : i32
    %scan3A_7 = arith.addi %scan3A_5, %scan3A_6 : i32
    %scan3A_8 = arith.constant 1 : i32
    scf.for %scan3A_11 = %scan3A_5 to %scan3A_7 step %scan3A_8  : i32 {
      %mul3A_12 = arith.constant 128 : i32
      %mul3A_13 = arith.muli %scan3A_11, %mul3A_12 : i32
      %add3A_14 = arith.addi %mul3A_4, %mul3A_13 : i32
      %multiple_of3A = tpu.assume_multiple %add3A_14, 128 : i32
      "tpu.region"() ({
        %run_scoped3A = tpu.sem_alloc : memref<!tpu.dma_semaphore, #tpu.memory_space<semaphore_mem>>
        %dma_start3A_19 = tpu.memref_slice %arg3[%multiple_of3A] : memref<323584xi32, #tpu.memory_space<hbm>> -> memref<128xi32, #tpu.memory_space<hbm>>
        %dma_start3A_20 = tpu.memref_slice %arg3[%multiple_of3A] : memref<323584xi32, #tpu.memory_space<hbm>> -> memref<128xi32, #tpu.memory_space<hbm>>
        tpu.enqueue_dma source(%dma_start3A_20 : memref<128xi32, #tpu.memory_space<hbm>>) target(%arg7 : memref<128xi32, #tpu.memory_space<vmem>>) target_semaphore(%run_scoped3A : memref<!tpu.dma_semaphore, #tpu.memory_space<semaphore_mem>>)
        %dma_wait3A_21 = tpu.memref_slice %arg3[%multiple_of3A] : memref<323584xi32, #tpu.memory_space<hbm>> -> memref<128xi32, #tpu.memory_space<hbm>>
        %dma_wait3A_22 = tpu.memref_slice %arg3[%multiple_of3A] : memref<323584xi32, #tpu.memory_space<hbm>> -> memref<128xi32, #tpu.memory_space<hbm>>
        tpu.wait_dma2 semaphore(%run_scoped3A : memref<!tpu.dma_semaphore, #tpu.memory_space<semaphore_mem>>) src(%dma_wait3A_22 : memref<128xi32, #tpu.memory_space<hbm>>) dst(%arg7 : memref<128xi32, #tpu.memory_space<vmem>>)
        tpu.yield
      }) : () -> ()
      "tpu.region"() ({
        %run_scoped3A = tpu.sem_alloc : memref<!tpu.dma_semaphore, #tpu.memory_space<semaphore_mem>>
        %dma_start3A_19 = tpu.memref_slice %arg4[%multiple_of3A] : memref<323584xi32, #tpu.memory_space<hbm>> -> memref<128xi32, #tpu.memory_space<hbm>>
        %dma_start3A_20 = tpu.memref_slice %arg4[%multiple_of3A] : memref<323584xi32, #tpu.memory_space<hbm>> -> memref<128xi32, #tpu.memory_space<hbm>>
        tpu.enqueue_dma source(%dma_start3A_20 : memref<128xi32, #tpu.memory_space<hbm>>) target(%arg8 : memref<128xi32, #tpu.memory_space<vmem>>) target_semaphore(%run_scoped3A : memref<!tpu.dma_semaphore, #tpu.memory_space<semaphore_mem>>)
        %dma_wait3A_21 = tpu.memref_slice %arg4[%multiple_of3A] : memref<323584xi32, #tpu.memory_space<hbm>> -> memref<128xi32, #tpu.memory_space<hbm>>
        %dma_wait3A_22 = tpu.memref_slice %arg4[%multiple_of3A] : memref<323584xi32, #tpu.memory_space<hbm>> -> memref<128xi32, #tpu.memory_space<hbm>>
        tpu.wait_dma2 semaphore(%run_scoped3A : memref<!tpu.dma_semaphore, #tpu.memory_space<semaphore_mem>>) src(%dma_wait3A_22 : memref<128xi32, #tpu.memory_space<hbm>>) dst(%arg8 : memref<128xi32, #tpu.memory_space<vmem>>)
        tpu.yield
      }) : () -> ()
      %dma_start3A = arith.constant 0 : i32
      %dma_start3A_15 = arith.constant 0 : i32
      %dma_start3A_16 = tpu.memref_slice %arg2[%dma_start3A, %dma_start3A_15] : memref<10000x128xf32, #tpu.memory_space<hbm>> -> memref<10000x128xf32, #tpu.memory_space<hbm>>
      tpu.enqueue_indirect_dma source(%dma_start3A_16 : memref<10000x128xf32, #tpu.memory_space<hbm>>) target(%arg9 : memref<128x128xf32, #tpu.memory_space<vmem>>) offsets(%arg7 : memref<128xi32, #tpu.memory_space<vmem>>) semaphore(%arg11 : memref<!tpu.dma_semaphore, #tpu.memory_space<semaphore_mem>>)
      %dma_wait3A = arith.constant 0 : i32
      %dma_wait3A_17 = arith.constant 0 : i32
      %dma_wait3A_18 = tpu.memref_slice %arg2[%dma_wait3A, %dma_wait3A_17] : memref<10000x128xf32, #tpu.memory_space<hbm>> -> memref<10000x128xf32, #tpu.memory_space<hbm>>
      tpu.wait_indirect_dma semaphore(%arg11 : memref<!tpu.dma_semaphore, #tpu.memory_space<semaphore_mem>>) src(%dma_wait3A_18 : memref<10000x128xf32, #tpu.memory_space<hbm>>) dst(%arg9 : memref<128x128xf32, #tpu.memory_space<vmem>>)
      "tpu.region"() ({
        %run_scoped3A = tpu.sem_alloc : memref<!tpu.dma_semaphore, #tpu.memory_space<semaphore_mem>>
        %dma_start3A_19 = arith.constant 0 : i32
        %dma_start3A_20 = arith.constant 0 : i32
        %dma_start3A_21 = tpu.memref_slice %arg10[%dma_start3A_19, %dma_start3A_20] : memref<10240x128xf32, #tpu.memory_space<vmem_shared>> -> memref<10240x128xf32, #tpu.memory_space<vmem_shared>>
        tpu.enqueue_indirect_dma source(%arg9 : memref<128x128xf32, #tpu.memory_space<vmem>>) target(%dma_start3A_21 : memref<10240x128xf32, #tpu.memory_space<vmem_shared>>) offsets(%arg8 : memref<128xi32, #tpu.memory_space<vmem>>) semaphore(%run_scoped3A : memref<!tpu.dma_semaphore, #tpu.memory_space<semaphore_mem>>) {add = true}
        %dma_wait3A_22 = arith.constant 0 : i32
        %dma_wait3A_23 = arith.constant 0 : i32
        %dma_wait3A_24 = tpu.memref_slice %arg10[%dma_wait3A_22, %dma_wait3A_23] : memref<10240x128xf32, #tpu.memory_space<vmem_shared>> -> memref<10240x128xf32, #tpu.memory_space<vmem_shared>>
        tpu.wait_indirect_dma semaphore(%run_scoped3A : memref<!tpu.dma_semaphore, #tpu.memory_space<semaphore_mem>>) src(%arg9 : memref<128x128xf32, #tpu.memory_space<vmem>>) dst(%dma_wait3A_24 : memref<10240x128xf32, #tpu.memory_space<vmem_shared>>)
        tpu.yield
      }) : () -> ()
    }
    %scan3A_9 = arith.constant 79 : i32
    %barrier3A_10 = arith.constant 0 : index
    tpu.barrier barrier_id(%barrier3A_10)
    "tpu.region"() ({
      %run_scoped3A = tpu.sem_alloc : memref<!tpu.dma_semaphore, #tpu.memory_space<semaphore_mem>>
      %dma_start3A = arith.constant 0 : i32
      %dma_start3A_11 = tpu.memref_slice %arg6[%arg0, %mul3A_2, %dma_start3A] : memref<2x10240x128xf32, #tpu.memory_space<hbm>> -> memref<1x640x128xf32, #tpu.memory_space<hbm>>
      %dma_start3A_12 = tpu.memref_squeeze %dma_start3A_11 : memref<1x640x128xf32, #tpu.memory_space<hbm>> -> memref<640x128xf32, #tpu.memory_space<hbm>>
      %dma_start3A_13 = arith.constant 0 : i32
      %dma_start3A_14 = tpu.memref_slice %arg10[%mul3A_2, %dma_start3A_13] : memref<10240x128xf32, #tpu.memory_space<vmem_shared>> -> memref<640x128xf32, #tpu.memory_space<vmem_shared>>
      tpu.enqueue_dma source(%dma_start3A_14 : memref<640x128xf32, #tpu.memory_space<vmem_shared>>) target(%dma_start3A_12 : memref<640x128xf32, #tpu.memory_space<hbm>>) target_semaphore(%run_scoped3A : memref<!tpu.dma_semaphore, #tpu.memory_space<semaphore_mem>>)
      %dma_wait3A = arith.constant 0 : i32
      %dma_wait3A_15 = tpu.memref_slice %arg6[%arg0, %mul3A_2, %dma_wait3A] : memref<2x10240x128xf32, #tpu.memory_space<hbm>> -> memref<1x640x128xf32, #tpu.memory_space<hbm>>
      %dma_wait3A_16 = tpu.memref_squeeze %dma_wait3A_15 : memref<1x640x128xf32, #tpu.memory_space<hbm>> -> memref<640x128xf32, #tpu.memory_space<hbm>>
      %dma_wait3A_17 = arith.constant 0 : i32
      %dma_wait3A_18 = tpu.memref_slice %arg10[%mul3A_2, %dma_wait3A_17] : memref<10240x128xf32, #tpu.memory_space<vmem_shared>> -> memref<640x128xf32, #tpu.memory_space<vmem_shared>>
      tpu.wait_dma2 semaphore(%run_scoped3A : memref<!tpu.dma_semaphore, #tpu.memory_space<semaphore_mem>>) src(%dma_wait3A_18 : memref<640x128xf32, #tpu.memory_space<vmem_shared>>) dst(%dma_wait3A_16 : memref<640x128xf32, #tpu.memory_space<hbm>>)
      tpu.yield
    }) : () -> ()
    return
  }
}

#map = affine_map<(d0, d1) -> (0, 0)>
#map1 = affine_map<(d0, d1) -> (0)>
#map2 = affine_map<(d0, d1) -> (0, 0, 0)>
module attributes {stable_mosaic.version = 14 : i64} {
  func.func @_sc_pass_body(%arg0: i32, %arg1: i32, %arg2: memref<10000x128xf32, #tpu.memory_space<hbm>>, %arg3: memref<323584xi32, #tpu.memory_space<hbm>>, %arg4: memref<323584xi32, #tpu.memory_space<hbm>>, %arg5: memref<10240x128xf32, #tpu.memory_space<hbm>>, %arg6: memref<2x10240x128xf32, #tpu.memory_space<hbm>>, %arg7: memref<128xi32, #tpu.memory_space<vmem>>, %arg8: memref<128xi32, #tpu.memory_space<vmem>>, %arg9: memref<128x128xf32, #tpu.memory_space<vmem>>, %arg10: memref<10240x128xf32, #tpu.memory_space<vmem_shared>>, %arg11: memref<!tpu.dma_semaphore, #tpu.memory_space<semaphore_mem>>) attributes {dimension_semantics = [#tpu.dimension_semantics<core_parallel>, #tpu.dimension_semantics<subcore_parallel>], iteration_bounds = array<i64: 2, 16>, scalar_prefetch = 0 : i64, scratch_operands = 5 : i64, tpu.core_type = #tpu.core_type<sc_vector_subcore>, window_params = [{transform_indices = #map}, {transform_indices = #map1}, {transform_indices = #map1}, {transform_indices = #map}, {transform_indices = #map2}]} {
    %mul3A = arith.constant 16 : i32
    %mul3A_0 = arith.muli %arg0, %mul3A : i32
    %add3A = arith.addi %mul3A_0, %arg1 : i32
    %mul3A_1 = arith.constant 640 : i32
    %mul3A_2 = arith.muli %arg1, %mul3A_1 : i32
    "tpu.region"() ({
      %run_scoped3A = tpu.sem_alloc : memref<!tpu.dma_semaphore, #tpu.memory_space<semaphore_mem>>
      %dma_start3A = arith.constant 0 : i32
      %dma_start3A_11 = tpu.memref_slice %arg10[%mul3A_2, %dma_start3A] : memref<10240x128xf32, #tpu.memory_space<vmem_shared>> -> memref<640x128xf32, #tpu.memory_space<vmem_shared>>
      %dma_start3A_12 = arith.constant 0 : i32
      %dma_start3A_13 = tpu.memref_slice %arg5[%mul3A_2, %dma_start3A_12] : memref<10240x128xf32, #tpu.memory_space<hbm>> -> memref<640x128xf32, #tpu.memory_space<hbm>>
      tpu.enqueue_dma source(%dma_start3A_13 : memref<640x128xf32, #tpu.memory_space<hbm>>) target(%dma_start3A_11 : memref<640x128xf32, #tpu.memory_space<vmem_shared>>) target_semaphore(%run_scoped3A : memref<!tpu.dma_semaphore, #tpu.memory_space<semaphore_mem>>)
      %dma_wait3A = arith.constant 0 : i32
      %dma_wait3A_14 = tpu.memref_slice %arg10[%mul3A_2, %dma_wait3A] : memref<10240x128xf32, #tpu.memory_space<vmem_shared>> -> memref<640x128xf32, #tpu.memory_space<vmem_shared>>
      %dma_wait3A_15 = arith.constant 0 : i32
      %dma_wait3A_16 = tpu.memref_slice %arg5[%mul3A_2, %dma_wait3A_15] : memref<10240x128xf32, #tpu.memory_space<hbm>> -> memref<640x128xf32, #tpu.memory_space<hbm>>
      tpu.wait_dma2 semaphore(%run_scoped3A : memref<!tpu.dma_semaphore, #tpu.memory_space<semaphore_mem>>) src(%dma_wait3A_16 : memref<640x128xf32, #tpu.memory_space<hbm>>) dst(%dma_wait3A_14 : memref<640x128xf32, #tpu.memory_space<vmem_shared>>)
      tpu.yield
    }) : () -> ()
    %barrier3A = arith.constant 0 : index
    tpu.barrier barrier_id(%barrier3A)
    %mul3A_3 = arith.constant 10112 : i32
    %mul3A_4 = arith.muli %add3A, %mul3A_3 : i32
    %scan3A = arith.constant 0 : i32
    %scan3A_5 = arith.constant 0 : i32
    %scan3A_6 = arith.constant 79 : i32
    %scan3A_7 = arith.addi %scan3A_5, %scan3A_6 : i32
    %scan3A_8 = arith.constant 1 : i32
    scf.for %scan3A_11 = %scan3A_5 to %scan3A_7 step %scan3A_8  : i32 {
      %mul3A_12 = arith.constant 128 : i32
      %mul3A_13 = arith.muli %scan3A_11, %mul3A_12 : i32
      %add3A_14 = arith.addi %mul3A_4, %mul3A_13 : i32
      %multiple_of3A = tpu.assume_multiple %add3A_14, 128 : i32
      "tpu.region"() ({
        %run_scoped3A = tpu.sem_alloc : memref<!tpu.dma_semaphore, #tpu.memory_space<semaphore_mem>>
        %dma_start3A_19 = tpu.memref_slice %arg3[%multiple_of3A] : memref<323584xi32, #tpu.memory_space<hbm>> -> memref<128xi32, #tpu.memory_space<hbm>>
        %dma_start3A_20 = tpu.memref_slice %arg3[%multiple_of3A] : memref<323584xi32, #tpu.memory_space<hbm>> -> memref<128xi32, #tpu.memory_space<hbm>>
        tpu.enqueue_dma source(%dma_start3A_20 : memref<128xi32, #tpu.memory_space<hbm>>) target(%arg7 : memref<128xi32, #tpu.memory_space<vmem>>) target_semaphore(%run_scoped3A : memref<!tpu.dma_semaphore, #tpu.memory_space<semaphore_mem>>)
        %dma_wait3A_21 = tpu.memref_slice %arg3[%multiple_of3A] : memref<323584xi32, #tpu.memory_space<hbm>> -> memref<128xi32, #tpu.memory_space<hbm>>
        %dma_wait3A_22 = tpu.memref_slice %arg3[%multiple_of3A] : memref<323584xi32, #tpu.memory_space<hbm>> -> memref<128xi32, #tpu.memory_space<hbm>>
        tpu.wait_dma2 semaphore(%run_scoped3A : memref<!tpu.dma_semaphore, #tpu.memory_space<semaphore_mem>>) src(%dma_wait3A_22 : memref<128xi32, #tpu.memory_space<hbm>>) dst(%arg7 : memref<128xi32, #tpu.memory_space<vmem>>)
        tpu.yield
      }) : () -> ()
      "tpu.region"() ({
        %run_scoped3A = tpu.sem_alloc : memref<!tpu.dma_semaphore, #tpu.memory_space<semaphore_mem>>
        %dma_start3A_19 = tpu.memref_slice %arg4[%multiple_of3A] : memref<323584xi32, #tpu.memory_space<hbm>> -> memref<128xi32, #tpu.memory_space<hbm>>
        %dma_start3A_20 = tpu.memref_slice %arg4[%multiple_of3A] : memref<323584xi32, #tpu.memory_space<hbm>> -> memref<128xi32, #tpu.memory_space<hbm>>
        tpu.enqueue_dma source(%dma_start3A_20 : memref<128xi32, #tpu.memory_space<hbm>>) target(%arg8 : memref<128xi32, #tpu.memory_space<vmem>>) target_semaphore(%run_scoped3A : memref<!tpu.dma_semaphore, #tpu.memory_space<semaphore_mem>>)
        %dma_wait3A_21 = tpu.memref_slice %arg4[%multiple_of3A] : memref<323584xi32, #tpu.memory_space<hbm>> -> memref<128xi32, #tpu.memory_space<hbm>>
        %dma_wait3A_22 = tpu.memref_slice %arg4[%multiple_of3A] : memref<323584xi32, #tpu.memory_space<hbm>> -> memref<128xi32, #tpu.memory_space<hbm>>
        tpu.wait_dma2 semaphore(%run_scoped3A : memref<!tpu.dma_semaphore, #tpu.memory_space<semaphore_mem>>) src(%dma_wait3A_22 : memref<128xi32, #tpu.memory_space<hbm>>) dst(%arg8 : memref<128xi32, #tpu.memory_space<vmem>>)
        tpu.yield
      }) : () -> ()
      %dma_start3A = arith.constant 0 : i32
      %dma_start3A_15 = arith.constant 0 : i32
      %dma_start3A_16 = tpu.memref_slice %arg2[%dma_start3A, %dma_start3A_15] : memref<10000x128xf32, #tpu.memory_space<hbm>> -> memref<10000x128xf32, #tpu.memory_space<hbm>>
      tpu.enqueue_indirect_dma source(%dma_start3A_16 : memref<10000x128xf32, #tpu.memory_space<hbm>>) target(%arg9 : memref<128x128xf32, #tpu.memory_space<vmem>>) offsets(%arg7 : memref<128xi32, #tpu.memory_space<vmem>>) semaphore(%arg11 : memref<!tpu.dma_semaphore, #tpu.memory_space<semaphore_mem>>)
      %dma_wait3A = arith.constant 0 : i32
      %dma_wait3A_17 = arith.constant 0 : i32
      %dma_wait3A_18 = tpu.memref_slice %arg2[%dma_wait3A, %dma_wait3A_17] : memref<10000x128xf32, #tpu.memory_space<hbm>> -> memref<10000x128xf32, #tpu.memory_space<hbm>>
      tpu.wait_indirect_dma semaphore(%arg11 : memref<!tpu.dma_semaphore, #tpu.memory_space<semaphore_mem>>) src(%dma_wait3A_18 : memref<10000x128xf32, #tpu.memory_space<hbm>>) dst(%arg9 : memref<128x128xf32, #tpu.memory_space<vmem>>)
      "tpu.region"() ({
        %run_scoped3A = tpu.sem_alloc : memref<!tpu.dma_semaphore, #tpu.memory_space<semaphore_mem>>
        %dma_start3A_19 = arith.constant 0 : i32
        %dma_start3A_20 = arith.constant 0 : i32
        %dma_start3A_21 = tpu.memref_slice %arg10[%dma_start3A_19, %dma_start3A_20] : memref<10240x128xf32, #tpu.memory_space<vmem_shared>> -> memref<10240x128xf32, #tpu.memory_space<vmem_shared>>
        tpu.enqueue_indirect_dma source(%arg9 : memref<128x128xf32, #tpu.memory_space<vmem>>) target(%dma_start3A_21 : memref<10240x128xf32, #tpu.memory_space<vmem_shared>>) offsets(%arg8 : memref<128xi32, #tpu.memory_space<vmem>>) semaphore(%run_scoped3A : memref<!tpu.dma_semaphore, #tpu.memory_space<semaphore_mem>>) {add = true}
        %dma_wait3A_22 = arith.constant 0 : i32
        %dma_wait3A_23 = arith.constant 0 : i32
        %dma_wait3A_24 = tpu.memref_slice %arg10[%dma_wait3A_22, %dma_wait3A_23] : memref<10240x128xf32, #tpu.memory_space<vmem_shared>> -> memref<10240x128xf32, #tpu.memory_space<vmem_shared>>
        tpu.wait_indirect_dma semaphore(%run_scoped3A : memref<!tpu.dma_semaphore, #tpu.memory_space<semaphore_mem>>) src(%arg9 : memref<128x128xf32, #tpu.memory_space<vmem>>) dst(%dma_wait3A_24 : memref<10240x128xf32, #tpu.memory_space<vmem_shared>>)
        tpu.yield
      }) : () -> ()
    }
    %scan3A_9 = arith.constant 79 : i32
    %barrier3A_10 = arith.constant 0 : index
    tpu.barrier barrier_id(%barrier3A_10)
    "tpu.region"() ({
      %run_scoped3A = tpu.sem_alloc : memref<!tpu.dma_semaphore, #tpu.memory_space<semaphore_mem>>
      %dma_start3A = arith.constant 0 : i32
      %dma_start3A_11 = tpu.memref_slice %arg6[%arg0, %mul3A_2, %dma_start3A] : memref<2x10240x128xf32, #tpu.memory_space<hbm>> -> memref<1x640x128xf32, #tpu.memory_space<hbm>>
      %dma_start3A_12 = tpu.memref_squeeze %dma_start3A_11 : memref<1x640x128xf32, #tpu.memory_space<hbm>> -> memref<640x128xf32, #tpu.memory_space<hbm>>
      %dma_start3A_13 = arith.constant 0 : i32
      %dma_start3A_14 = tpu.memref_slice %arg10[%mul3A_2, %dma_start3A_13] : memref<10240x128xf32, #tpu.memory_space<vmem_shared>> -> memref<640x128xf32, #tpu.memory_space<vmem_shared>>
      tpu.enqueue_dma source(%dma_start3A_14 : memref<640x128xf32, #tpu.memory_space<vmem_shared>>) target(%dma_start3A_12 : memref<640x128xf32, #tpu.memory_space<hbm>>) target_semaphore(%run_scoped3A : memref<!tpu.dma_semaphore, #tpu.memory_space<semaphore_mem>>)
      %dma_wait3A = arith.constant 0 : i32
      %dma_wait3A_15 = tpu.memref_slice %arg6[%arg0, %mul3A_2, %dma_wait3A] : memref<2x10240x128xf32, #tpu.memory_space<hbm>> -> memref<1x640x128xf32, #tpu.memory_space<hbm>>
      %dma_wait3A_16 = tpu.memref_squeeze %dma_wait3A_15 : memref<1x640x128xf32, #tpu.memory_space<hbm>> -> memref<640x128xf32, #tpu.memory_space<hbm>>
      %dma_wait3A_17 = arith.constant 0 : i32
      %dma_wait3A_18 = tpu.memref_slice %arg10[%mul3A_2, %dma_wait3A_17] : memref<10240x128xf32, #tpu.memory_space<vmem_shared>> -> memref<640x128xf32, #tpu.memory_space<vmem_shared>>
      tpu.wait_dma2 semaphore(%run_scoped3A : memref<!tpu.dma_semaphore, #tpu.memory_space<semaphore_mem>>) src(%dma_wait3A_18 : memref<640x128xf32, #tpu.memory_space<vmem_shared>>) dst(%dma_wait3A_16 : memref<640x128xf32, #tpu.memory_space<hbm>>)
      tpu.yield
    }) : () -> ()
    return
  }
}

#map = affine_map<(d0, d1) -> (0)>
#map1 = affine_map<(d0, d1) -> (0, 0)>
module attributes {stable_mosaic.version = 14 : i64} {
  func.func @_sc_deg_body(%arg0: i32, %arg1: i32, %arg2: memref<323584xi32, #tpu.memory_space<hbm>>, %arg3: memref<10240xf32, #tpu.memory_space<hbm>>, %arg4: memref<2x10240xf32, #tpu.memory_space<hbm>>, %arg5: memref<128xf32, #tpu.memory_space<vmem>>, %arg6: memref<128xi32, #tpu.memory_space<vmem>>, %arg7: memref<10240xf32, #tpu.memory_space<vmem_shared>>) attributes {dimension_semantics = [#tpu.dimension_semantics<core_parallel>, #tpu.dimension_semantics<subcore_parallel>], iteration_bounds = array<i64: 2, 16>, scalar_prefetch = 0 : i64, scratch_operands = 3 : i64, tpu.core_type = #tpu.core_type<sc_vector_subcore>, window_params = [{transform_indices = #map}, {transform_indices = #map}, {transform_indices = #map1}]} {
    %mul3A = arith.constant 16 : i32
    %mul3A_0 = arith.muli %arg0, %mul3A : i32
    %add3A = arith.addi %mul3A_0, %arg1 : i32
    %mul3A_1 = arith.constant 640 : i32
    %mul3A_2 = arith.muli %arg1, %mul3A_1 : i32
    "tpu.region"() ({
      %run_scoped3A = tpu.sem_alloc : memref<!tpu.dma_semaphore, #tpu.memory_space<semaphore_mem>>
      %dma_start3A = tpu.memref_slice %arg7[%mul3A_2] : memref<10240xf32, #tpu.memory_space<vmem_shared>> -> memref<640xf32, #tpu.memory_space<vmem_shared>>
      %dma_start3A_57 = tpu.memref_slice %arg3[%mul3A_2] : memref<10240xf32, #tpu.memory_space<hbm>> -> memref<640xf32, #tpu.memory_space<hbm>>
      tpu.enqueue_dma source(%dma_start3A_57 : memref<640xf32, #tpu.memory_space<hbm>>) target(%dma_start3A : memref<640xf32, #tpu.memory_space<vmem_shared>>) target_semaphore(%run_scoped3A : memref<!tpu.dma_semaphore, #tpu.memory_space<semaphore_mem>>)
      %dma_wait3A = tpu.memref_slice %arg7[%mul3A_2] : memref<10240xf32, #tpu.memory_space<vmem_shared>> -> memref<640xf32, #tpu.memory_space<vmem_shared>>
      %dma_wait3A_58 = tpu.memref_slice %arg3[%mul3A_2] : memref<10240xf32, #tpu.memory_space<hbm>> -> memref<640xf32, #tpu.memory_space<hbm>>
      tpu.wait_dma2 semaphore(%run_scoped3A : memref<!tpu.dma_semaphore, #tpu.memory_space<semaphore_mem>>) src(%dma_wait3A_58 : memref<640xf32, #tpu.memory_space<hbm>>) dst(%dma_wait3A : memref<640xf32, #tpu.memory_space<vmem_shared>>)
      tpu.yield
    }) : () -> ()
    %broadcast_in_dim3A = arith.constant 1.000000e+00 : f32
    %broadcast_in_dim3A_3 = vector.broadcast %broadcast_in_dim3A : f32 to vector<16xf32>
    %swap3A = arith.constant 0 : index
    %swap3A_4 = tpu.vector_load %arg5[%swap3A] {strides = array<i32>} : memref<128xf32, #tpu.memory_space<vmem>>, vector<16xf32>,
    %swap3A_5 = vector.shape_cast %swap3A_4 : vector<16xf32> to vector<16xf32>
    %swap3A_6 = vector.shape_cast %broadcast_in_dim3A_3 : vector<16xf32> to vector<16xf32>
    tpu.vector_store %arg5[%swap3A], %swap3A_6 {strides = array<i32>} : memref<128xf32, #tpu.memory_space<vmem>>, vector<16xf32>,
    %broadcast_in_dim3A_7 = arith.constant 1.000000e+00 : f32
    %broadcast_in_dim3A_8 = vector.broadcast %broadcast_in_dim3A_7 : f32 to vector<16xf32>
    %swap3A_9 = arith.constant 16 : index
    %swap3A_10 = tpu.vector_load %arg5[%swap3A_9] {strides = array<i32>} : memref<128xf32, #tpu.memory_space<vmem>>, vector<16xf32>,
    %swap3A_11 = vector.shape_cast %swap3A_10 : vector<16xf32> to vector<16xf32>
    %swap3A_12 = vector.shape_cast %broadcast_in_dim3A_8 : vector<16xf32> to vector<16xf32>
    tpu.vector_store %arg5[%swap3A_9], %swap3A_12 {strides = array<i32>} : memref<128xf32, #tpu.memory_space<vmem>>, vector<16xf32>,
    %broadcast_in_dim3A_13 = arith.constant 1.000000e+00 : f32
    %broadcast_in_dim3A_14 = vector.broadcast %broadcast_in_dim3A_13 : f32 to vector<16xf32>
    %swap3A_15 = arith.constant 32 : index
    %swap3A_16 = tpu.vector_load %arg5[%swap3A_15] {strides = array<i32>} : memref<128xf32, #tpu.memory_space<vmem>>, vector<16xf32>,
    %swap3A_17 = vector.shape_cast %swap3A_16 : vector<16xf32> to vector<16xf32>
    %swap3A_18 = vector.shape_cast %broadcast_in_dim3A_14 : vector<16xf32> to vector<16xf32>
    tpu.vector_store %arg5[%swap3A_15], %swap3A_18 {strides = array<i32>} : memref<128xf32, #tpu.memory_space<vmem>>, vector<16xf32>,
    %broadcast_in_dim3A_19 = arith.constant 1.000000e+00 : f32
    %broadcast_in_dim3A_20 = vector.broadcast %broadcast_in_dim3A_19 : f32 to vector<16xf32>
    %swap3A_21 = arith.constant 48 : index
    %swap3A_22 = tpu.vector_load %arg5[%swap3A_21] {strides = array<i32>} : memref<128xf32, #tpu.memory_space<vmem>>, vector<16xf32>,
    %swap3A_23 = vector.shape_cast %swap3A_22 : vector<16xf32> to vector<16xf32>
    %swap3A_24 = vector.shape_cast %broadcast_in_dim3A_20 : vector<16xf32> to vector<16xf32>
    tpu.vector_store %arg5[%swap3A_21], %swap3A_24 {strides = array<i32>} : memref<128xf32, #tpu.memory_space<vmem>>, vector<16xf32>,
    %broadcast_in_dim3A_25 = arith.constant 1.000000e+00 : f32
    %broadcast_in_dim3A_26 = vector.broadcast %broadcast_in_dim3A_25 : f32 to vector<16xf32>
    %swap3A_27 = arith.constant 64 : index
    %swap3A_28 = tpu.vector_load %arg5[%swap3A_27] {strides = array<i32>} : memref<128xf32, #tpu.memory_space<vmem>>, vector<16xf32>,
    %swap3A_29 = vector.shape_cast %swap3A_28 : vector<16xf32> to vector<16xf32>
    %swap3A_30 = vector.shape_cast %broadcast_in_dim3A_26 : vector<16xf32> to vector<16xf32>
    tpu.vector_store %arg5[%swap3A_27], %swap3A_30 {strides = array<i32>} : memref<128xf32, #tpu.memory_space<vmem>>, vector<16xf32>,
    %broadcast_in_dim3A_31 = arith.constant 1.000000e+00 : f32
    %broadcast_in_dim3A_32 = vector.broadcast %broadcast_in_dim3A_31 : f32 to vector<16xf32>
    %swap3A_33 = arith.constant 80 : index
    %swap3A_34 = tpu.vector_load %arg5[%swap3A_33] {strides = array<i32>} : memref<128xf32, #tpu.memory_space<vmem>>, vector<16xf32>,
    %swap3A_35 = vector.shape_cast %swap3A_34 : vector<16xf32> to vector<16xf32>
    %swap3A_36 = vector.shape_cast %broadcast_in_dim3A_32 : vector<16xf32> to vector<16xf32>
    tpu.vector_store %arg5[%swap3A_33], %swap3A_36 {strides = array<i32>} : memref<128xf32, #tpu.memory_space<vmem>>, vector<16xf32>,
    %broadcast_in_dim3A_37 = arith.constant 1.000000e+00 : f32
    %broadcast_in_dim3A_38 = vector.broadcast %broadcast_in_dim3A_37 : f32 to vector<16xf32>
    %swap3A_39 = arith.constant 96 : index
    %swap3A_40 = tpu.vector_load %arg5[%swap3A_39] {strides = array<i32>} : memref<128xf32, #tpu.memory_space<vmem>>, vector<16xf32>,
    %swap3A_41 = vector.shape_cast %swap3A_40 : vector<16xf32> to vector<16xf32>
    %swap3A_42 = vector.shape_cast %broadcast_in_dim3A_38 : vector<16xf32> to vector<16xf32>
    tpu.vector_store %arg5[%swap3A_39], %swap3A_42 {strides = array<i32>} : memref<128xf32, #tpu.memory_space<vmem>>, vector<16xf32>,
    %broadcast_in_dim3A_43 = arith.constant 1.000000e+00 : f32
    %broadcast_in_dim3A_44 = vector.broadcast %broadcast_in_dim3A_43 : f32 to vector<16xf32>
    %swap3A_45 = arith.constant 112 : index
    %swap3A_46 = tpu.vector_load %arg5[%swap3A_45] {strides = array<i32>} : memref<128xf32, #tpu.memory_space<vmem>>, vector<16xf32>,
    %swap3A_47 = vector.shape_cast %swap3A_46 : vector<16xf32> to vector<16xf32>
    %swap3A_48 = vector.shape_cast %broadcast_in_dim3A_44 : vector<16xf32> to vector<16xf32>
    tpu.vector_store %arg5[%swap3A_45], %swap3A_48 {strides = array<i32>} : memref<128xf32, #tpu.memory_space<vmem>>, vector<16xf32>,
    %barrier3A = arith.constant 0 : index
    tpu.barrier barrier_id(%barrier3A)
    %mul3A_49 = arith.constant 10112 : i32
    %mul3A_50 = arith.muli %add3A, %mul3A_49 : i32
    %scan3A = arith.constant 0 : i32
    %scan3A_51 = arith.constant 0 : i32
    %scan3A_52 = arith.constant 79 : i32
    %scan3A_53 = arith.addi %scan3A_51, %scan3A_52 : i32
    %scan3A_54 = arith.constant 1 : i32
    scf.for %scan3A_57 = %scan3A_51 to %scan3A_53 step %scan3A_54  : i32 {
      %mul3A_58 = arith.constant 128 : i32
      %mul3A_59 = arith.muli %scan3A_57, %mul3A_58 : i32
      %add3A_60 = arith.addi %mul3A_50, %mul3A_59 : i32
      %multiple_of3A = tpu.assume_multiple %add3A_60, 128 : i32
      "tpu.region"() ({
        %run_scoped3A = tpu.sem_alloc : memref<!tpu.dma_semaphore, #tpu.memory_space<semaphore_mem>>
        %dma_start3A = tpu.memref_slice %arg2[%multiple_of3A] : memref<323584xi32, #tpu.memory_space<hbm>> -> memref<128xi32, #tpu.memory_space<hbm>>
        %dma_start3A_61 = tpu.memref_slice %arg2[%multiple_of3A] : memref<323584xi32, #tpu.memory_space<hbm>> -> memref<128xi32, #tpu.memory_space<hbm>>
        tpu.enqueue_dma source(%dma_start3A_61 : memref<128xi32, #tpu.memory_space<hbm>>) target(%arg6 : memref<128xi32, #tpu.memory_space<vmem>>) target_semaphore(%run_scoped3A : memref<!tpu.dma_semaphore, #tpu.memory_space<semaphore_mem>>)
        %dma_wait3A = tpu.memref_slice %arg2[%multiple_of3A] : memref<323584xi32, #tpu.memory_space<hbm>> -> memref<128xi32, #tpu.memory_space<hbm>>
        %dma_wait3A_62 = tpu.memref_slice %arg2[%multiple_of3A] : memref<323584xi32, #tpu.memory_space<hbm>> -> memref<128xi32, #tpu.memory_space<hbm>>
        tpu.wait_dma2 semaphore(%run_scoped3A : memref<!tpu.dma_semaphore, #tpu.memory_space<semaphore_mem>>) src(%dma_wait3A_62 : memref<128xi32, #tpu.memory_space<hbm>>) dst(%arg6 : memref<128xi32, #tpu.memory_space<vmem>>)
        tpu.yield
      }) : () -> ()
      "tpu.region"() ({
        %run_scoped3A = tpu.sem_alloc : memref<!tpu.dma_semaphore, #tpu.memory_space<semaphore_mem>>
        %dma_start3A = arith.constant 0 : i32
        %dma_start3A_61 = tpu.memref_slice %arg7[%dma_start3A] : memref<10240xf32, #tpu.memory_space<vmem_shared>> -> memref<10240xf32, #tpu.memory_space<vmem_shared>>
        tpu.enqueue_indirect_dma source(%arg5 : memref<128xf32, #tpu.memory_space<vmem>>) target(%dma_start3A_61 : memref<10240xf32, #tpu.memory_space<vmem_shared>>) offsets(%arg6 : memref<128xi32, #tpu.memory_space<vmem>>) semaphore(%run_scoped3A : memref<!tpu.dma_semaphore, #tpu.memory_space<semaphore_mem>>) {add = true}
        %dma_wait3A = arith.constant 0 : i32
        %dma_wait3A_62 = tpu.memref_slice %arg7[%dma_wait3A] : memref<10240xf32, #tpu.memory_space<vmem_shared>> -> memref<10240xf32, #tpu.memory_space<vmem_shared>>
        tpu.wait_indirect_dma semaphore(%run_scoped3A : memref<!tpu.dma_semaphore, #tpu.memory_space<semaphore_mem>>) src(%arg5 : memref<128xf32, #tpu.memory_space<vmem>>) dst(%dma_wait3A_62 : memref<10240xf32, #tpu.memory_space<vmem_shared>>)
        tpu.yield
      }) : () -> ()
    }
    %scan3A_55 = arith.constant 79 : i32
    %barrier3A_56 = arith.constant 0 : index
    tpu.barrier barrier_id(%barrier3A_56)
    "tpu.region"() ({
      %run_scoped3A = tpu.sem_alloc : memref<!tpu.dma_semaphore, #tpu.memory_space<semaphore_mem>>
      %dma_start3A = tpu.memref_slice %arg4[%arg0, %mul3A_2] : memref<2x10240xf32, #tpu.memory_space<hbm>> -> memref<1x640xf32, #tpu.memory_space<hbm>>
      %dma_start3A_57 = tpu.memref_squeeze %dma_start3A : memref<1x640xf32, #tpu.memory_space<hbm>> -> memref<640xf32, #tpu.memory_space<hbm>>
      %dma_start3A_58 = tpu.memref_slice %arg7[%mul3A_2] : memref<10240xf32, #tpu.memory_space<vmem_shared>> -> memref<640xf32, #tpu.memory_space<vmem_shared>>
      tpu.enqueue_dma source(%dma_start3A_58 : memref<640xf32, #tpu.memory_space<vmem_shared>>) target(%dma_start3A_57 : memref<640xf32, #tpu.memory_space<hbm>>) target_semaphore(%run_scoped3A : memref<!tpu.dma_semaphore, #tpu.memory_space<semaphore_mem>>)
      %dma_wait3A = tpu.memref_slice %arg4[%arg0, %mul3A_2] : memref<2x10240xf32, #tpu.memory_space<hbm>> -> memref<1x640xf32, #tpu.memory_space<hbm>>
      %dma_wait3A_59 = tpu.memref_squeeze %dma_wait3A : memref<1x640xf32, #tpu.memory_space<hbm>> -> memref<640xf32, #tpu.memory_space<hbm>>
      %dma_wait3A_60 = tpu.memref_slice %arg7[%mul3A_2] : memref<10240xf32, #tpu.memory_space<vmem_shared>> -> memref<640xf32, #tpu.memory_space<vmem_shared>>
      tpu.wait_dma2 semaphore(%run_scoped3A : memref<!tpu.dma_semaphore, #tpu.memory_space<semaphore_mem>>) src(%dma_wait3A_60 : memref<640xf32, #tpu.memory_space<vmem_shared>>) dst(%dma_wait3A_59 : memref<640xf32, #tpu.memory_space<hbm>>)
      tpu.yield
    }) : () -> ()
    return
  }
}

#map = affine_map<(d0, d1) -> (0, 0)>
#map1 = affine_map<(d0, d1) -> (0)>
#map2 = affine_map<(d0, d1) -> (0, 0, 0)>
module attributes {stable_mosaic.version = 14 : i64} {
  func.func @_sc_pass_body(%arg0: i32, %arg1: i32, %arg2: memref<10000x128xf32, #tpu.memory_space<hbm>>, %arg3: memref<323584xi32, #tpu.memory_space<hbm>>, %arg4: memref<323584xi32, #tpu.memory_space<hbm>>, %arg5: memref<10240x128xf32, #tpu.memory_space<hbm>>, %arg6: memref<2x10240x128xf32, #tpu.memory_space<hbm>>, %arg7: memref<128xi32, #tpu.memory_space<vmem>>, %arg8: memref<128xi32, #tpu.memory_space<vmem>>, %arg9: memref<128x128xf32, #tpu.memory_space<vmem>>, %arg10: memref<10240x128xf32, #tpu.memory_space<vmem_shared>>, %arg11: memref<!tpu.dma_semaphore, #tpu.memory_space<semaphore_mem>>) attributes {dimension_semantics = [#tpu.dimension_semantics<core_parallel>, #tpu.dimension_semantics<subcore_parallel>], iteration_bounds = array<i64: 2, 16>, scalar_prefetch = 0 : i64, scratch_operands = 5 : i64, tpu.core_type = #tpu.core_type<sc_vector_subcore>, window_params = [{transform_indices = #map}, {transform_indices = #map1}, {transform_indices = #map1}, {transform_indices = #map}, {transform_indices = #map2}]} {
    %mul3A = arith.constant 16 : i32
    %mul3A_0 = arith.muli %arg0, %mul3A : i32
    %add3A = arith.addi %mul3A_0, %arg1 : i32
    %mul3A_1 = arith.constant 640 : i32
    %mul3A_2 = arith.muli %arg1, %mul3A_1 : i32
    "tpu.region"() ({
      %run_scoped3A = tpu.sem_alloc : memref<!tpu.dma_semaphore, #tpu.memory_space<semaphore_mem>>
      %dma_start3A = arith.constant 0 : i32
      %dma_start3A_11 = tpu.memref_slice %arg10[%mul3A_2, %dma_start3A] : memref<10240x128xf32, #tpu.memory_space<vmem_shared>> -> memref<640x128xf32, #tpu.memory_space<vmem_shared>>
      %dma_start3A_12 = arith.constant 0 : i32
      %dma_start3A_13 = tpu.memref_slice %arg5[%mul3A_2, %dma_start3A_12] : memref<10240x128xf32, #tpu.memory_space<hbm>> -> memref<640x128xf32, #tpu.memory_space<hbm>>
      tpu.enqueue_dma source(%dma_start3A_13 : memref<640x128xf32, #tpu.memory_space<hbm>>) target(%dma_start3A_11 : memref<640x128xf32, #tpu.memory_space<vmem_shared>>) target_semaphore(%run_scoped3A : memref<!tpu.dma_semaphore, #tpu.memory_space<semaphore_mem>>)
      %dma_wait3A = arith.constant 0 : i32
      %dma_wait3A_14 = tpu.memref_slice %arg10[%mul3A_2, %dma_wait3A] : memref<10240x128xf32, #tpu.memory_space<vmem_shared>> -> memref<640x128xf32, #tpu.memory_space<vmem_shared>>
      %dma_wait3A_15 = arith.constant 0 : i32
      %dma_wait3A_16 = tpu.memref_slice %arg5[%mul3A_2, %dma_wait3A_15] : memref<10240x128xf32, #tpu.memory_space<hbm>> -> memref<640x128xf32, #tpu.memory_space<hbm>>
      tpu.wait_dma2 semaphore(%run_scoped3A : memref<!tpu.dma_semaphore, #tpu.memory_space<semaphore_mem>>) src(%dma_wait3A_16 : memref<640x128xf32, #tpu.memory_space<hbm>>) dst(%dma_wait3A_14 : memref<640x128xf32, #tpu.memory_space<vmem_shared>>)
      tpu.yield
    }) : () -> ()
    %barrier3A = arith.constant 0 : index
    tpu.barrier barrier_id(%barrier3A)
    %mul3A_3 = arith.constant 10112 : i32
    %mul3A_4 = arith.muli %add3A, %mul3A_3 : i32
    %scan3A = arith.constant 0 : i32
    %scan3A_5 = arith.constant 0 : i32
    %scan3A_6 = arith.constant 79 : i32
    %scan3A_7 = arith.addi %scan3A_5, %scan3A_6 : i32
    %scan3A_8 = arith.constant 1 : i32
    scf.for %scan3A_11 = %scan3A_5 to %scan3A_7 step %scan3A_8  : i32 {
      %mul3A_12 = arith.constant 128 : i32
      %mul3A_13 = arith.muli %scan3A_11, %mul3A_12 : i32
      %add3A_14 = arith.addi %mul3A_4, %mul3A_13 : i32
      %multiple_of3A = tpu.assume_multiple %add3A_14, 128 : i32
      "tpu.region"() ({
        %run_scoped3A = tpu.sem_alloc : memref<!tpu.dma_semaphore, #tpu.memory_space<semaphore_mem>>
        %dma_start3A_19 = tpu.memref_slice %arg3[%multiple_of3A] : memref<323584xi32, #tpu.memory_space<hbm>> -> memref<128xi32, #tpu.memory_space<hbm>>
        %dma_start3A_20 = tpu.memref_slice %arg3[%multiple_of3A] : memref<323584xi32, #tpu.memory_space<hbm>> -> memref<128xi32, #tpu.memory_space<hbm>>
        tpu.enqueue_dma source(%dma_start3A_20 : memref<128xi32, #tpu.memory_space<hbm>>) target(%arg7 : memref<128xi32, #tpu.memory_space<vmem>>) target_semaphore(%run_scoped3A : memref<!tpu.dma_semaphore, #tpu.memory_space<semaphore_mem>>)
        %dma_wait3A_21 = tpu.memref_slice %arg3[%multiple_of3A] : memref<323584xi32, #tpu.memory_space<hbm>> -> memref<128xi32, #tpu.memory_space<hbm>>
        %dma_wait3A_22 = tpu.memref_slice %arg3[%multiple_of3A] : memref<323584xi32, #tpu.memory_space<hbm>> -> memref<128xi32, #tpu.memory_space<hbm>>
        tpu.wait_dma2 semaphore(%run_scoped3A : memref<!tpu.dma_semaphore, #tpu.memory_space<semaphore_mem>>) src(%dma_wait3A_22 : memref<128xi32, #tpu.memory_space<hbm>>) dst(%arg7 : memref<128xi32, #tpu.memory_space<vmem>>)
        tpu.yield
      }) : () -> ()
      "tpu.region"() ({
        %run_scoped3A = tpu.sem_alloc : memref<!tpu.dma_semaphore, #tpu.memory_space<semaphore_mem>>
        %dma_start3A_19 = tpu.memref_slice %arg4[%multiple_of3A] : memref<323584xi32, #tpu.memory_space<hbm>> -> memref<128xi32, #tpu.memory_space<hbm>>
        %dma_start3A_20 = tpu.memref_slice %arg4[%multiple_of3A] : memref<323584xi32, #tpu.memory_space<hbm>> -> memref<128xi32, #tpu.memory_space<hbm>>
        tpu.enqueue_dma source(%dma_start3A_20 : memref<128xi32, #tpu.memory_space<hbm>>) target(%arg8 : memref<128xi32, #tpu.memory_space<vmem>>) target_semaphore(%run_scoped3A : memref<!tpu.dma_semaphore, #tpu.memory_space<semaphore_mem>>)
        %dma_wait3A_21 = tpu.memref_slice %arg4[%multiple_of3A] : memref<323584xi32, #tpu.memory_space<hbm>> -> memref<128xi32, #tpu.memory_space<hbm>>
        %dma_wait3A_22 = tpu.memref_slice %arg4[%multiple_of3A] : memref<323584xi32, #tpu.memory_space<hbm>> -> memref<128xi32, #tpu.memory_space<hbm>>
        tpu.wait_dma2 semaphore(%run_scoped3A : memref<!tpu.dma_semaphore, #tpu.memory_space<semaphore_mem>>) src(%dma_wait3A_22 : memref<128xi32, #tpu.memory_space<hbm>>) dst(%arg8 : memref<128xi32, #tpu.memory_space<vmem>>)
        tpu.yield
      }) : () -> ()
      %dma_start3A = arith.constant 0 : i32
      %dma_start3A_15 = arith.constant 0 : i32
      %dma_start3A_16 = tpu.memref_slice %arg2[%dma_start3A, %dma_start3A_15] : memref<10000x128xf32, #tpu.memory_space<hbm>> -> memref<10000x128xf32, #tpu.memory_space<hbm>>
      tpu.enqueue_indirect_dma source(%dma_start3A_16 : memref<10000x128xf32, #tpu.memory_space<hbm>>) target(%arg9 : memref<128x128xf32, #tpu.memory_space<vmem>>) offsets(%arg7 : memref<128xi32, #tpu.memory_space<vmem>>) semaphore(%arg11 : memref<!tpu.dma_semaphore, #tpu.memory_space<semaphore_mem>>)
      %dma_wait3A = arith.constant 0 : i32
      %dma_wait3A_17 = arith.constant 0 : i32
      %dma_wait3A_18 = tpu.memref_slice %arg2[%dma_wait3A, %dma_wait3A_17] : memref<10000x128xf32, #tpu.memory_space<hbm>> -> memref<10000x128xf32, #tpu.memory_space<hbm>>
      tpu.wait_indirect_dma semaphore(%arg11 : memref<!tpu.dma_semaphore, #tpu.memory_space<semaphore_mem>>) src(%dma_wait3A_18 : memref<10000x128xf32, #tpu.memory_space<hbm>>) dst(%arg9 : memref<128x128xf32, #tpu.memory_space<vmem>>)
      "tpu.region"() ({
        %run_scoped3A = tpu.sem_alloc : memref<!tpu.dma_semaphore, #tpu.memory_space<semaphore_mem>>
        %dma_start3A_19 = arith.constant 0 : i32
        %dma_start3A_20 = arith.constant 0 : i32
        %dma_start3A_21 = tpu.memref_slice %arg10[%dma_start3A_19, %dma_start3A_20] : memref<10240x128xf32, #tpu.memory_space<vmem_shared>> -> memref<10240x128xf32, #tpu.memory_space<vmem_shared>>
        tpu.enqueue_indirect_dma source(%arg9 : memref<128x128xf32, #tpu.memory_space<vmem>>) target(%dma_start3A_21 : memref<10240x128xf32, #tpu.memory_space<vmem_shared>>) offsets(%arg8 : memref<128xi32, #tpu.memory_space<vmem>>) semaphore(%run_scoped3A : memref<!tpu.dma_semaphore, #tpu.memory_space<semaphore_mem>>) {add = true}
        %dma_wait3A_22 = arith.constant 0 : i32
        %dma_wait3A_23 = arith.constant 0 : i32
        %dma_wait3A_24 = tpu.memref_slice %arg10[%dma_wait3A_22, %dma_wait3A_23] : memref<10240x128xf32, #tpu.memory_space<vmem_shared>> -> memref<10240x128xf32, #tpu.memory_space<vmem_shared>>
        tpu.wait_indirect_dma semaphore(%run_scoped3A : memref<!tpu.dma_semaphore, #tpu.memory_space<semaphore_mem>>) src(%arg9 : memref<128x128xf32, #tpu.memory_space<vmem>>) dst(%dma_wait3A_24 : memref<10240x128xf32, #tpu.memory_space<vmem_shared>>)
        tpu.yield
      }) : () -> ()
    }
    %scan3A_9 = arith.constant 79 : i32
    %barrier3A_10 = arith.constant 0 : index
    tpu.barrier barrier_id(%barrier3A_10)
    "tpu.region"() ({
      %run_scoped3A = tpu.sem_alloc : memref<!tpu.dma_semaphore, #tpu.memory_space<semaphore_mem>>
      %dma_start3A = arith.constant 0 : i32
      %dma_start3A_11 = tpu.memref_slice %arg6[%arg0, %mul3A_2, %dma_start3A] : memref<2x10240x128xf32, #tpu.memory_space<hbm>> -> memref<1x640x128xf32, #tpu.memory_space<hbm>>
      %dma_start3A_12 = tpu.memref_squeeze %dma_start3A_11 : memref<1x640x128xf32, #tpu.memory_space<hbm>> -> memref<640x128xf32, #tpu.memory_space<hbm>>
      %dma_start3A_13 = arith.constant 0 : i32
      %dma_start3A_14 = tpu.memref_slice %arg10[%mul3A_2, %dma_start3A_13] : memref<10240x128xf32, #tpu.memory_space<vmem_shared>> -> memref<640x128xf32, #tpu.memory_space<vmem_shared>>
      tpu.enqueue_dma source(%dma_start3A_14 : memref<640x128xf32, #tpu.memory_space<vmem_shared>>) target(%dma_start3A_12 : memref<640x128xf32, #tpu.memory_space<hbm>>) target_semaphore(%run_scoped3A : memref<!tpu.dma_semaphore, #tpu.memory_space<semaphore_mem>>)
      %dma_wait3A = arith.constant 0 : i32
      %dma_wait3A_15 = tpu.memref_slice %arg6[%arg0, %mul3A_2, %dma_wait3A] : memref<2x10240x128xf32, #tpu.memory_space<hbm>> -> memref<1x640x128xf32, #tpu.memory_space<hbm>>
      %dma_wait3A_16 = tpu.memref_squeeze %dma_wait3A_15 : memref<1x640x128xf32, #tpu.memory_space<hbm>> -> memref<640x128xf32, #tpu.memory_space<hbm>>
      %dma_wait3A_17 = arith.constant 0 : i32
      %dma_wait3A_18 = tpu.memref_slice %arg10[%mul3A_2, %dma_wait3A_17] : memref<10240x128xf32, #tpu.memory_space<vmem_shared>> -> memref<640x128xf32, #tpu.memory_space<vmem_shared>>
      tpu.wait_dma2 semaphore(%run_scoped3A : memref<!tpu.dma_semaphore, #tpu.memory_space<semaphore_mem>>) src(%dma_wait3A_18 : memref<640x128xf32, #tpu.memory_space<vmem_shared>>) dst(%dma_wait3A_16 : memref<640x128xf32, #tpu.memory_space<hbm>>)
      tpu.yield
    }) : () -> ()
    return
  }
}

#map = affine_map<(d0, d1) -> (0, 0)>
#map1 = affine_map<(d0, d1) -> (0)>
#map2 = affine_map<(d0, d1) -> (0, 0, 0)>
module attributes {stable_mosaic.version = 14 : i64} {
  func.func @_sc_pass_body(%arg0: i32, %arg1: i32, %arg2: memref<10000x128xf32, #tpu.memory_space<hbm>>, %arg3: memref<323584xi32, #tpu.memory_space<hbm>>, %arg4: memref<323584xi32, #tpu.memory_space<hbm>>, %arg5: memref<10240x128xf32, #tpu.memory_space<hbm>>, %arg6: memref<2x10240x128xf32, #tpu.memory_space<hbm>>, %arg7: memref<128xi32, #tpu.memory_space<vmem>>, %arg8: memref<128xi32, #tpu.memory_space<vmem>>, %arg9: memref<128x128xf32, #tpu.memory_space<vmem>>, %arg10: memref<10240x128xf32, #tpu.memory_space<vmem_shared>>, %arg11: memref<!tpu.dma_semaphore, #tpu.memory_space<semaphore_mem>>) attributes {dimension_semantics = [#tpu.dimension_semantics<core_parallel>, #tpu.dimension_semantics<subcore_parallel>], iteration_bounds = array<i64: 2, 16>, scalar_prefetch = 0 : i64, scratch_operands = 5 : i64, tpu.core_type = #tpu.core_type<sc_vector_subcore>, window_params = [{transform_indices = #map}, {transform_indices = #map1}, {transform_indices = #map1}, {transform_indices = #map}, {transform_indices = #map2}]} {
    %mul3A = arith.constant 16 : i32
    %mul3A_0 = arith.muli %arg0, %mul3A : i32
    %add3A = arith.addi %mul3A_0, %arg1 : i32
    %mul3A_1 = arith.constant 640 : i32
    %mul3A_2 = arith.muli %arg1, %mul3A_1 : i32
    "tpu.region"() ({
      %run_scoped3A = tpu.sem_alloc : memref<!tpu.dma_semaphore, #tpu.memory_space<semaphore_mem>>
      %dma_start3A = arith.constant 0 : i32
      %dma_start3A_11 = tpu.memref_slice %arg10[%mul3A_2, %dma_start3A] : memref<10240x128xf32, #tpu.memory_space<vmem_shared>> -> memref<640x128xf32, #tpu.memory_space<vmem_shared>>
      %dma_start3A_12 = arith.constant 0 : i32
      %dma_start3A_13 = tpu.memref_slice %arg5[%mul3A_2, %dma_start3A_12] : memref<10240x128xf32, #tpu.memory_space<hbm>> -> memref<640x128xf32, #tpu.memory_space<hbm>>
      tpu.enqueue_dma source(%dma_start3A_13 : memref<640x128xf32, #tpu.memory_space<hbm>>) target(%dma_start3A_11 : memref<640x128xf32, #tpu.memory_space<vmem_shared>>) target_semaphore(%run_scoped3A : memref<!tpu.dma_semaphore, #tpu.memory_space<semaphore_mem>>)
      %dma_wait3A = arith.constant 0 : i32
      %dma_wait3A_14 = tpu.memref_slice %arg10[%mul3A_2, %dma_wait3A] : memref<10240x128xf32, #tpu.memory_space<vmem_shared>> -> memref<640x128xf32, #tpu.memory_space<vmem_shared>>
      %dma_wait3A_15 = arith.constant 0 : i32
      %dma_wait3A_16 = tpu.memref_slice %arg5[%mul3A_2, %dma_wait3A_15] : memref<10240x128xf32, #tpu.memory_space<hbm>> -> memref<640x128xf32, #tpu.memory_space<hbm>>
      tpu.wait_dma2 semaphore(%run_scoped3A : memref<!tpu.dma_semaphore, #tpu.memory_space<semaphore_mem>>) src(%dma_wait3A_16 : memref<640x128xf32, #tpu.memory_space<hbm>>) dst(%dma_wait3A_14 : memref<640x128xf32, #tpu.memory_space<vmem_shared>>)
      tpu.yield
    }) : () -> ()
    %barrier3A = arith.constant 0 : index
    tpu.barrier barrier_id(%barrier3A)
    %mul3A_3 = arith.constant 10112 : i32
    %mul3A_4 = arith.muli %add3A, %mul3A_3 : i32
    %scan3A = arith.constant 0 : i32
    %scan3A_5 = arith.constant 0 : i32
    %scan3A_6 = arith.constant 79 : i32
    %scan3A_7 = arith.addi %scan3A_5, %scan3A_6 : i32
    %scan3A_8 = arith.constant 1 : i32
    scf.for %scan3A_11 = %scan3A_5 to %scan3A_7 step %scan3A_8  : i32 {
      %mul3A_12 = arith.constant 128 : i32
      %mul3A_13 = arith.muli %scan3A_11, %mul3A_12 : i32
      %add3A_14 = arith.addi %mul3A_4, %mul3A_13 : i32
      %multiple_of3A = tpu.assume_multiple %add3A_14, 128 : i32
      "tpu.region"() ({
        %run_scoped3A = tpu.sem_alloc : memref<!tpu.dma_semaphore, #tpu.memory_space<semaphore_mem>>
        %dma_start3A_19 = tpu.memref_slice %arg3[%multiple_of3A] : memref<323584xi32, #tpu.memory_space<hbm>> -> memref<128xi32, #tpu.memory_space<hbm>>
        %dma_start3A_20 = tpu.memref_slice %arg3[%multiple_of3A] : memref<323584xi32, #tpu.memory_space<hbm>> -> memref<128xi32, #tpu.memory_space<hbm>>
        tpu.enqueue_dma source(%dma_start3A_20 : memref<128xi32, #tpu.memory_space<hbm>>) target(%arg7 : memref<128xi32, #tpu.memory_space<vmem>>) target_semaphore(%run_scoped3A : memref<!tpu.dma_semaphore, #tpu.memory_space<semaphore_mem>>)
        %dma_wait3A_21 = tpu.memref_slice %arg3[%multiple_of3A] : memref<323584xi32, #tpu.memory_space<hbm>> -> memref<128xi32, #tpu.memory_space<hbm>>
        %dma_wait3A_22 = tpu.memref_slice %arg3[%multiple_of3A] : memref<323584xi32, #tpu.memory_space<hbm>> -> memref<128xi32, #tpu.memory_space<hbm>>
        tpu.wait_dma2 semaphore(%run_scoped3A : memref<!tpu.dma_semaphore, #tpu.memory_space<semaphore_mem>>) src(%dma_wait3A_22 : memref<128xi32, #tpu.memory_space<hbm>>) dst(%arg7 : memref<128xi32, #tpu.memory_space<vmem>>)
        tpu.yield
      }) : () -> ()
      "tpu.region"() ({
        %run_scoped3A = tpu.sem_alloc : memref<!tpu.dma_semaphore, #tpu.memory_space<semaphore_mem>>
        %dma_start3A_19 = tpu.memref_slice %arg4[%multiple_of3A] : memref<323584xi32, #tpu.memory_space<hbm>> -> memref<128xi32, #tpu.memory_space<hbm>>
        %dma_start3A_20 = tpu.memref_slice %arg4[%multiple_of3A] : memref<323584xi32, #tpu.memory_space<hbm>> -> memref<128xi32, #tpu.memory_space<hbm>>
        tpu.enqueue_dma source(%dma_start3A_20 : memref<128xi32, #tpu.memory_space<hbm>>) target(%arg8 : memref<128xi32, #tpu.memory_space<vmem>>) target_semaphore(%run_scoped3A : memref<!tpu.dma_semaphore, #tpu.memory_space<semaphore_mem>>)
        %dma_wait3A_21 = tpu.memref_slice %arg4[%multiple_of3A] : memref<323584xi32, #tpu.memory_space<hbm>> -> memref<128xi32, #tpu.memory_space<hbm>>
        %dma_wait3A_22 = tpu.memref_slice %arg4[%multiple_of3A] : memref<323584xi32, #tpu.memory_space<hbm>> -> memref<128xi32, #tpu.memory_space<hbm>>
        tpu.wait_dma2 semaphore(%run_scoped3A : memref<!tpu.dma_semaphore, #tpu.memory_space<semaphore_mem>>) src(%dma_wait3A_22 : memref<128xi32, #tpu.memory_space<hbm>>) dst(%arg8 : memref<128xi32, #tpu.memory_space<vmem>>)
        tpu.yield
      }) : () -> ()
      %dma_start3A = arith.constant 0 : i32
      %dma_start3A_15 = arith.constant 0 : i32
      %dma_start3A_16 = tpu.memref_slice %arg2[%dma_start3A, %dma_start3A_15] : memref<10000x128xf32, #tpu.memory_space<hbm>> -> memref<10000x128xf32, #tpu.memory_space<hbm>>
      tpu.enqueue_indirect_dma source(%dma_start3A_16 : memref<10000x128xf32, #tpu.memory_space<hbm>>) target(%arg9 : memref<128x128xf32, #tpu.memory_space<vmem>>) offsets(%arg7 : memref<128xi32, #tpu.memory_space<vmem>>) semaphore(%arg11 : memref<!tpu.dma_semaphore, #tpu.memory_space<semaphore_mem>>)
      %dma_wait3A = arith.constant 0 : i32
      %dma_wait3A_17 = arith.constant 0 : i32
      %dma_wait3A_18 = tpu.memref_slice %arg2[%dma_wait3A, %dma_wait3A_17] : memref<10000x128xf32, #tpu.memory_space<hbm>> -> memref<10000x128xf32, #tpu.memory_space<hbm>>
      tpu.wait_indirect_dma semaphore(%arg11 : memref<!tpu.dma_semaphore, #tpu.memory_space<semaphore_mem>>) src(%dma_wait3A_18 : memref<10000x128xf32, #tpu.memory_space<hbm>>) dst(%arg9 : memref<128x128xf32, #tpu.memory_space<vmem>>)
      "tpu.region"() ({
        %run_scoped3A = tpu.sem_alloc : memref<!tpu.dma_semaphore, #tpu.memory_space<semaphore_mem>>
        %dma_start3A_19 = arith.constant 0 : i32
        %dma_start3A_20 = arith.constant 0 : i32
        %dma_start3A_21 = tpu.memref_slice %arg10[%dma_start3A_19, %dma_start3A_20] : memref<10240x128xf32, #tpu.memory_space<vmem_shared>> -> memref<10240x128xf32, #tpu.memory_space<vmem_shared>>
        tpu.enqueue_indirect_dma source(%arg9 : memref<128x128xf32, #tpu.memory_space<vmem>>) target(%dma_start3A_21 : memref<10240x128xf32, #tpu.memory_space<vmem_shared>>) offsets(%arg8 : memref<128xi32, #tpu.memory_space<vmem>>) semaphore(%run_scoped3A : memref<!tpu.dma_semaphore, #tpu.memory_space<semaphore_mem>>) {add = true}
        %dma_wait3A_22 = arith.constant 0 : i32
        %dma_wait3A_23 = arith.constant 0 : i32
        %dma_wait3A_24 = tpu.memref_slice %arg10[%dma_wait3A_22, %dma_wait3A_23] : memref<10240x128xf32, #tpu.memory_space<vmem_shared>> -> memref<10240x128xf32, #tpu.memory_space<vmem_shared>>
        tpu.wait_indirect_dma semaphore(%run_scoped3A : memref<!tpu.dma_semaphore, #tpu.memory_space<semaphore_mem>>) src(%arg9 : memref<128x128xf32, #tpu.memory_space<vmem>>) dst(%dma_wait3A_24 : memref<10240x128xf32, #tpu.memory_space<vmem_shared>>)
        tpu.yield
      }) : () -> ()
    }
    %scan3A_9 = arith.constant 79 : i32
    %barrier3A_10 = arith.constant 0 : index
    tpu.barrier barrier_id(%barrier3A_10)
    "tpu.region"() ({
      %run_scoped3A = tpu.sem_alloc : memref<!tpu.dma_semaphore, #tpu.memory_space<semaphore_mem>>
      %dma_start3A = arith.constant 0 : i32
      %dma_start3A_11 = tpu.memref_slice %arg6[%arg0, %mul3A_2, %dma_start3A] : memref<2x10240x128xf32, #tpu.memory_space<hbm>> -> memref<1x640x128xf32, #tpu.memory_space<hbm>>
      %dma_start3A_12 = tpu.memref_squeeze %dma_start3A_11 : memref<1x640x128xf32, #tpu.memory_space<hbm>> -> memref<640x128xf32, #tpu.memory_space<hbm>>
      %dma_start3A_13 = arith.constant 0 : i32
      %dma_start3A_14 = tpu.memref_slice %arg10[%mul3A_2, %dma_start3A_13] : memref<10240x128xf32, #tpu.memory_space<vmem_shared>> -> memref<640x128xf32, #tpu.memory_space<vmem_shared>>
      tpu.enqueue_dma source(%dma_start3A_14 : memref<640x128xf32, #tpu.memory_space<vmem_shared>>) target(%dma_start3A_12 : memref<640x128xf32, #tpu.memory_space<hbm>>) target_semaphore(%run_scoped3A : memref<!tpu.dma_semaphore, #tpu.memory_space<semaphore_mem>>)
      %dma_wait3A = arith.constant 0 : i32
      %dma_wait3A_15 = tpu.memref_slice %arg6[%arg0, %mul3A_2, %dma_wait3A] : memref<2x10240x128xf32, #tpu.memory_space<hbm>> -> memref<1x640x128xf32, #tpu.memory_space<hbm>>
      %dma_wait3A_16 = tpu.memref_squeeze %dma_wait3A_15 : memref<1x640x128xf32, #tpu.memory_space<hbm>> -> memref<640x128xf32, #tpu.memory_space<hbm>>
      %dma_wait3A_17 = arith.constant 0 : i32
      %dma_wait3A_18 = tpu.memref_slice %arg10[%mul3A_2, %dma_wait3A_17] : memref<10240x128xf32, #tpu.memory_space<vmem_shared>> -> memref<640x128xf32, #tpu.memory_space<vmem_shared>>
      tpu.wait_dma2 semaphore(%run_scoped3A : memref<!tpu.dma_semaphore, #tpu.memory_space<semaphore_mem>>) src(%dma_wait3A_18 : memref<640x128xf32, #tpu.memory_space<vmem_shared>>) dst(%dma_wait3A_16 : memref<640x128xf32, #tpu.memory_space<hbm>>)
      tpu.yield
    }) : () -> ()
    return
  }
}

module attributes {stable_mosaic.version = 14 : i64} {
  func.func @_scale_x_body(%arg0: i32, %arg1: memref<1000x128xf32, #tpu.memory_space<vmem>>, %arg2: memref<1000x2xf32, #tpu.memory_space<vmem>>, %arg3: memref<1000x128xf32, #tpu.memory_space<vmem>>) attributes {dimension_semantics = [#tpu.dimension_semantics<arbitrary>], iteration_bounds = array<i64: 10>, scalar_prefetch = 0 : i64, scratch_operands = 0 : i64, tpu.core_type = #tpu.core_type<tc>, window_params = [{transform_indices = @transform_0, window_bounds = array<i64: 1000, 128>}, {transform_indices = @transform_1, window_bounds = array<i64: 1000, 2>}, {transform_indices = @transform_2, window_bounds = array<i64: 1000, 128>}]} {
    %get3A = arith.constant 0 : index
    %get3A_0 = arith.constant 0 : index
    %get3A_1 = vector.load %arg2[%get3A, %get3A_0] : memref<1000x2xf32, #tpu.memory_space<vmem>>, vector<1000x2xf32>
    %reduce_sum3A = arith.constant dense<0.000000e+00> : vector<1000xf32>
    %reduce_sum3A_2 = vector.multi_reduction <add>, %get3A_1, %reduce_sum3A [1] : vector<1000x2xf32> to vector<1000xf32>
    %add3A = arith.constant 1.000000e+00 : f32
    %add3A_3 = vector.broadcast %add3A : f32 to vector<1000xf32>
    %add3A_4 = arith.addf %reduce_sum3A_2, %add3A_3 : vector<1000xf32>
    %rsqrt3A = math.rsqrt %add3A_4 : vector<1000xf32>
    %get3A_5 = arith.constant 0 : index
    %get3A_6 = arith.constant 0 : index
    %get3A_7 = vector.load %arg1[%get3A_5, %get3A_6] : memref<1000x128xf32, #tpu.memory_space<vmem>>, vector<1000x128xf32>
    %broadcast_in_dim3A = vector.shape_cast %rsqrt3A : vector<1000xf32> to vector<1000x1xf32>
    %mul3A = vector.broadcast %broadcast_in_dim3A : vector<1000x1xf32> to vector<1000x128xf32>
    %mul3A_8 = arith.mulf %get3A_7, %mul3A : vector<1000x128xf32>
    %swap3A = arith.constant 0 : index
    %swap3A_9 = arith.constant 0 : index
    %swap3A_10 = vector.load %arg3[%swap3A, %swap3A_9] : memref<1000x128xf32, #tpu.memory_space<vmem>>, vector<1000x128xf32>
    tpu.vector_store %arg3[%swap3A, %swap3A_9], %mul3A_8 {strides = array<i32>} : memref<1000x128xf32, #tpu.memory_space<vmem>>, vector<1000x128xf32>,
    return
  }
  func.func @transform_0(%arg0: i32) -> (i32, i32) {
    %c0_i32 = arith.constant 0 : i32
    %c0_i32_0 = arith.constant 0 : i32
    return %arg0, %c0_i32 : i32, i32
  }
  func.func @transform_1(%arg0: i32) -> (i32, i32) {
    %c0_i32 = arith.constant 0 : i32
    %c0_i32_0 = arith.constant 0 : i32
    return %arg0, %c0_i32 : i32, i32
  }
  func.func @transform_2(%arg0: i32) -> (i32, i32) {
    %c0_i32 = arith.constant 0 : i32
    %c0_i32_0 = arith.constant 0 : i32
    return %arg0, %c0_i32 : i32, i32
  }
}

module attributes {stable_mosaic.version = 14 : i64} {
  func.func @_combine_body(%arg0: i32, %arg1: memref<2x1000x128xf32, #tpu.memory_space<vmem>>, %arg2: memref<1000x2xf32, #tpu.memory_space<vmem>>, %arg3: memref<1000x128xf32, #tpu.memory_space<vmem>>, %arg4: memref<1000x128xf32, #tpu.memory_space<vmem>>) attributes {dimension_semantics = [#tpu.dimension_semantics<arbitrary>], iteration_bounds = array<i64: 10>, scalar_prefetch = 0 : i64, scratch_operands = 0 : i64, tpu.core_type = #tpu.core_type<tc>, window_params = [{transform_indices = @transform_0, window_bounds = array<i64: 2, 1000, 128>}, {transform_indices = @transform_1, window_bounds = array<i64: 1000, 2>}, {transform_indices = @transform_2, window_bounds = array<i64: 1000, 128>}, {transform_indices = @transform_3, window_bounds = array<i64: 1000, 128>}]} {
    %get3A = arith.constant 0 : index
    %get3A_0 = arith.constant 0 : index
    %get3A_1 = vector.load %arg2[%get3A, %get3A_0] : memref<1000x2xf32, #tpu.memory_space<vmem>>, vector<1000x2xf32>
    %reduce_sum3A = arith.constant dense<0.000000e+00> : vector<1000xf32>
    %reduce_sum3A_2 = vector.multi_reduction <add>, %get3A_1, %reduce_sum3A [1] : vector<1000x2xf32> to vector<1000xf32>
    %add3A = arith.constant 1.000000e+00 : f32
    %add3A_3 = vector.broadcast %add3A : f32 to vector<1000xf32>
    %add3A_4 = arith.addf %reduce_sum3A_2, %add3A_3 : vector<1000xf32>
    %get3A_5 = arith.constant 0 : index
    %get3A_6 = arith.constant 0 : index
    %get3A_7 = arith.constant 0 : index
    %get3A_8 = vector.load %arg1[%get3A_5, %get3A_6, %get3A_7] : memref<2x1000x128xf32, #tpu.memory_space<vmem>>, vector<1x1000x128xf32>
    %get3A_9 = vector.shape_cast %get3A_8 : vector<1x1000x128xf32> to vector<1000x128xf32>
    %get3A_10 = arith.constant 1 : index
    %get3A_11 = arith.constant 0 : index
    %get3A_12 = arith.constant 0 : index
    %get3A_13 = vector.load %arg1[%get3A_10, %get3A_11, %get3A_12] : memref<2x1000x128xf32, #tpu.memory_space<vmem>>, vector<1x1000x128xf32>
    %get3A_14 = vector.shape_cast %get3A_13 : vector<1x1000x128xf32> to vector<1000x128xf32>
    %add3A_15 = arith.addf %get3A_9, %get3A_14 : vector<1000x128xf32>
    %get3A_16 = arith.constant 0 : index
    %get3A_17 = arith.constant 0 : index
    %get3A_18 = vector.load %arg3[%get3A_16, %get3A_17] : memref<1000x128xf32, #tpu.memory_space<vmem>>, vector<1000x128xf32>
    %add3A_19 = arith.addf %add3A_15, %get3A_18 : vector<1000x128xf32>
    %div3A = arith.constant 1.000000e+00 : f32
    %div3A_20 = vector.broadcast %div3A : f32 to vector<1000xf32>
    %div3A_21 = arith.divf %div3A_20, %add3A_4 : vector<1000xf32>
    %broadcast_in_dim3A = vector.shape_cast %div3A_21 : vector<1000xf32> to vector<1000x1xf32>
    %mul3A = vector.broadcast %broadcast_in_dim3A : vector<1000x1xf32> to vector<1000x128xf32>
    %mul3A_22 = arith.mulf %add3A_19, %mul3A : vector<1000x128xf32>
    %swap3A = arith.constant 0 : index
    %swap3A_23 = arith.constant 0 : index
    %swap3A_24 = vector.load %arg4[%swap3A, %swap3A_23] : memref<1000x128xf32, #tpu.memory_space<vmem>>, vector<1000x128xf32>
    tpu.vector_store %arg4[%swap3A, %swap3A_23], %mul3A_22 {strides = array<i32>} : memref<1000x128xf32, #tpu.memory_space<vmem>>, vector<1000x128xf32>,
    return
  }
  func.func @transform_0(%arg0: i32) -> (i32, i32, i32) {
    %c0_i32 = arith.constant 0 : i32
    %c0_i32_0 = arith.constant 0 : i32
    %c0_i32_1 = arith.constant 0 : i32
    return %c0_i32, %arg0, %c0_i32_0 : i32, i32, i32
  }
  func.func @transform_1(%arg0: i32) -> (i32, i32) {
    %c0_i32 = arith.constant 0 : i32
    %c0_i32_0 = arith.constant 0 : i32
    return %arg0, %c0_i32 : i32, i32
  }
  func.func @transform_2(%arg0: i32) -> (i32, i32) {
    %c0_i32 = arith.constant 0 : i32
    %c0_i32_0 = arith.constant 0 : i32
    return %arg0, %c0_i32 : i32, i32
  }
  func.func @transform_3(%arg0: i32) -> (i32, i32) {
    %c0_i32 = arith.constant 0 : i32
    %c0_i32_0 = arith.constant 0 : i32
    return %arg0, %c0_i32 : i32, i32
  }
}

module attributes {stable_mosaic.version = 14 : i64} {
  func.func @_conv_body(%arg0: i32, %arg1: memref<2x1000x128xf32, #tpu.memory_space<vmem>>, %arg2: memref<1000x2xf32, #tpu.memory_space<vmem>>, %arg3: memref<1000x128xf32, #tpu.memory_space<vmem>>, %arg4: memref<128x128xf32, #tpu.memory_space<vmem>>, %arg5: memref<1x128xf32, #tpu.memory_space<vmem>>, %arg6: memref<1000x128xf32, #tpu.memory_space<vmem>>) attributes {dimension_semantics = [#tpu.dimension_semantics<arbitrary>], iteration_bounds = array<i64: 10>, scalar_prefetch = 0 : i64, scratch_operands = 0 : i64, tpu.core_type = #tpu.core_type<tc>, window_params = [{transform_indices = @transform_0, window_bounds = array<i64: 2, 1000, 128>}, {transform_indices = @transform_1, window_bounds = array<i64: 1000, 2>}, {transform_indices = @transform_2, window_bounds = array<i64: 1000, 128>}, {pipeline_mode = #tpu.pipeline_mode<synchronous>, transform_indices = @transform_3, window_bounds = array<i64: 128, 128>}, {pipeline_mode = #tpu.pipeline_mode<synchronous>, transform_indices = @transform_4, window_bounds = array<i64: 1, 128>}, {transform_indices = @transform_5, window_bounds = array<i64: 1000, 128>}]} {
    %get3A = arith.constant 0 : index
    %get3A_0 = arith.constant 0 : index
    %get3A_1 = vector.load %arg2[%get3A, %get3A_0] : memref<1000x2xf32, #tpu.memory_space<vmem>>, vector<1000x2xf32>
    %reduce_sum3A = arith.constant dense<0.000000e+00> : vector<1000xf32>
    %reduce_sum3A_2 = vector.multi_reduction <add>, %get3A_1, %reduce_sum3A [1] : vector<1000x2xf32> to vector<1000xf32>
    %add3A = arith.constant 1.000000e+00 : f32
    %add3A_3 = vector.broadcast %add3A : f32 to vector<1000xf32>
    %add3A_4 = arith.addf %reduce_sum3A_2, %add3A_3 : vector<1000xf32>
    %rsqrt3A = math.rsqrt %add3A_4 : vector<1000xf32>
    %get3A_5 = arith.constant 0 : index
    %get3A_6 = arith.constant 0 : index
    %get3A_7 = arith.constant 0 : index
    %get3A_8 = vector.load %arg1[%get3A_5, %get3A_6, %get3A_7] : memref<2x1000x128xf32, #tpu.memory_space<vmem>>, vector<1x1000x128xf32>
    %get3A_9 = vector.shape_cast %get3A_8 : vector<1x1000x128xf32> to vector<1000x128xf32>
    %get3A_10 = arith.constant 1 : index
    %get3A_11 = arith.constant 0 : index
    %get3A_12 = arith.constant 0 : index
    %get3A_13 = vector.load %arg1[%get3A_10, %get3A_11, %get3A_12] : memref<2x1000x128xf32, #tpu.memory_space<vmem>>, vector<1x1000x128xf32>
    %get3A_14 = vector.shape_cast %get3A_13 : vector<1x1000x128xf32> to vector<1000x128xf32>
    %add3A_15 = arith.addf %get3A_9, %get3A_14 : vector<1000x128xf32>
    %get3A_16 = arith.constant 0 : index
    %get3A_17 = arith.constant 0 : index
    %get3A_18 = vector.load %arg3[%get3A_16, %get3A_17] : memref<1000x128xf32, #tpu.memory_space<vmem>>, vector<1000x128xf32>
    %add3A_19 = arith.addf %add3A_15, %get3A_18 : vector<1000x128xf32>
    %broadcast_in_dim3A = vector.shape_cast %rsqrt3A : vector<1000xf32> to vector<1000x1xf32>
    %mul3A = vector.broadcast %broadcast_in_dim3A : vector<1000x1xf32> to vector<1000x128xf32>
    %mul3A_20 = arith.mulf %add3A_19, %mul3A : vector<1000x128xf32>
    %get3A_21 = arith.constant 0 : index
    %get3A_22 = arith.constant 0 : index
    %get3A_23 = vector.load %arg4[%get3A_21, %get3A_22] : memref<128x128xf32, #tpu.memory_space<vmem>>, vector<128x128xf32>
    %dot_general3A = arith.constant dense<0.000000e+00> : vector<1000x128xf32>
    %dot_general3A_24 = tpu.matmul %mul3A_20, %get3A_23, %dot_general3A {dimension_numbers = #tpu.dot_dimension_numbers<[1], [1], [0], [0], [0, 0, 1, 0], [], []>, transpose_lhs_hint = false} : vector<1000x128xf32>, vector<128x128xf32>, vector<1000x128xf32> -> vector<1000x128xf32>
    %get3A_25 = arith.constant 0 : index
    %get3A_26 = arith.constant 0 : index
    %get3A_27 = vector.load %arg5[%get3A_25, %get3A_26] : memref<1x128xf32, #tpu.memory_space<vmem>>, vector<1x128xf32>
    %add3A_28 = vector.broadcast %get3A_27 : vector<1x128xf32> to vector<1000x128xf32>
    %add3A_29 = arith.addf %dot_general3A_24, %add3A_28 : vector<1000x128xf32>
    %max3A = arith.constant 0.000000e+00 : f32
    %max3A_30 = vector.broadcast %max3A : f32 to vector<1000x128xf32>
    %max3A_31 = arith.maximumf %add3A_29, %max3A_30 : vector<1000x128xf32>
    %broadcast_in_dim3A_32 = vector.shape_cast %rsqrt3A : vector<1000xf32> to vector<1000x1xf32>
    %mul3A_33 = vector.broadcast %broadcast_in_dim3A_32 : vector<1000x1xf32> to vector<1000x128xf32>
    %mul3A_34 = arith.mulf %max3A_31, %mul3A_33 : vector<1000x128xf32>
    %swap3A = arith.constant 0 : index
    %swap3A_35 = arith.constant 0 : index
    %swap3A_36 = vector.load %arg6[%swap3A, %swap3A_35] : memref<1000x128xf32, #tpu.memory_space<vmem>>, vector<1000x128xf32>
    tpu.vector_store %arg6[%swap3A, %swap3A_35], %mul3A_34 {strides = array<i32>} : memref<1000x128xf32, #tpu.memory_space<vmem>>, vector<1000x128xf32>,
    return
  }
  func.func @transform_0(%arg0: i32) -> (i32, i32, i32) {
    %c0_i32 = arith.constant 0 : i32
    %c0_i32_0 = arith.constant 0 : i32
    %c0_i32_1 = arith.constant 0 : i32
    return %c0_i32, %arg0, %c0_i32_0 : i32, i32, i32
  }
  func.func @transform_1(%arg0: i32) -> (i32, i32) {
    %c0_i32 = arith.constant 0 : i32
    %c0_i32_0 = arith.constant 0 : i32
    return %arg0, %c0_i32 : i32, i32
  }
  func.func @transform_2(%arg0: i32) -> (i32, i32) {
    %c0_i32 = arith.constant 0 : i32
    %c0_i32_0 = arith.constant 0 : i32
    return %arg0, %c0_i32 : i32, i32
  }
  func.func @transform_3(%arg0: i32) -> (i32, i32) {
    %c0_i32 = arith.constant 0 : i32
    %c0_i32_0 = arith.constant 0 : i32
    %c0_i32_1 = arith.constant 0 : i32
    return %c0_i32, %c0_i32_0 : i32, i32
  }
  func.func @transform_4(%arg0: i32) -> (i32, i32) {
    %c0_i32 = arith.constant 0 : i32
    %c0_i32_0 = arith.constant 0 : i32
    %c0_i32_1 = arith.constant 0 : i32
    return %c0_i32, %c0_i32_0 : i32, i32
  }
  func.func @transform_5(%arg0: i32) -> (i32, i32) {
    %c0_i32 = arith.constant 0 : i32
    %c0_i32_0 = arith.constant 0 : i32
    return %arg0, %c0_i32 : i32, i32
  }
}

module attributes {stable_mosaic.version = 14 : i64} {
  func.func @_final_body(%arg0: i32, %arg1: memref<2x1000x128xf32, #tpu.memory_space<vmem>>, %arg2: memref<1000x2xf32, #tpu.memory_space<vmem>>, %arg3: memref<1000x128xf32, #tpu.memory_space<vmem>>, %arg4: memref<128x128xf32, #tpu.memory_space<vmem>>, %arg5: memref<1x128xf32, #tpu.memory_space<vmem>>, %arg6: memref<40x128xf32, #tpu.memory_space<vmem>>, %arg7: memref<1x40xf32, #tpu.memory_space<vmem>>, %arg8: memref<1000x40xf32, #tpu.memory_space<vmem>>) attributes {dimension_semantics = [#tpu.dimension_semantics<arbitrary>], iteration_bounds = array<i64: 10>, scalar_prefetch = 0 : i64, scratch_operands = 0 : i64, tpu.core_type = #tpu.core_type<tc>, window_params = [{transform_indices = @transform_0, window_bounds = array<i64: 2, 1000, 128>}, {transform_indices = @transform_1, window_bounds = array<i64: 1000, 2>}, {transform_indices = @transform_2, window_bounds = array<i64: 1000, 128>}, {pipeline_mode = #tpu.pipeline_mode<synchronous>, transform_indices = @transform_3, window_bounds = array<i64: 128, 128>}, {pipeline_mode = #tpu.pipeline_mode<synchronous>, transform_indices = @transform_4, window_bounds = array<i64: 1, 128>}, {pipeline_mode = #tpu.pipeline_mode<synchronous>, transform_indices = @transform_5, window_bounds = array<i64: 40, 128>}, {pipeline_mode = #tpu.pipeline_mode<synchronous>, transform_indices = @transform_6, window_bounds = array<i64: 1, 40>}, {transform_indices = @transform_7, window_bounds = array<i64: 1000, 40>}]} {
    %get3A = arith.constant 0 : index
    %get3A_0 = arith.constant 0 : index
    %get3A_1 = vector.load %arg2[%get3A, %get3A_0] : memref<1000x2xf32, #tpu.memory_space<vmem>>, vector<1000x2xf32>
    %reduce_sum3A = arith.constant dense<0.000000e+00> : vector<1000xf32>
    %reduce_sum3A_2 = vector.multi_reduction <add>, %get3A_1, %reduce_sum3A [1] : vector<1000x2xf32> to vector<1000xf32>
    %add3A = arith.constant 1.000000e+00 : f32
    %add3A_3 = vector.broadcast %add3A : f32 to vector<1000xf32>
    %add3A_4 = arith.addf %reduce_sum3A_2, %add3A_3 : vector<1000xf32>
    %rsqrt3A = math.rsqrt %add3A_4 : vector<1000xf32>
    %get3A_5 = arith.constant 0 : index
    %get3A_6 = arith.constant 0 : index
    %get3A_7 = arith.constant 0 : index
    %get3A_8 = vector.load %arg1[%get3A_5, %get3A_6, %get3A_7] : memref<2x1000x128xf32, #tpu.memory_space<vmem>>, vector<1x1000x128xf32>
    %get3A_9 = vector.shape_cast %get3A_8 : vector<1x1000x128xf32> to vector<1000x128xf32>
    %get3A_10 = arith.constant 1 : index
    %get3A_11 = arith.constant 0 : index
    %get3A_12 = arith.constant 0 : index
    %get3A_13 = vector.load %arg1[%get3A_10, %get3A_11, %get3A_12] : memref<2x1000x128xf32, #tpu.memory_space<vmem>>, vector<1x1000x128xf32>
    %get3A_14 = vector.shape_cast %get3A_13 : vector<1x1000x128xf32> to vector<1000x128xf32>
    %add3A_15 = arith.addf %get3A_9, %get3A_14 : vector<1000x128xf32>
    %get3A_16 = arith.constant 0 : index
    %get3A_17 = arith.constant 0 : index
    %get3A_18 = vector.load %arg3[%get3A_16, %get3A_17] : memref<1000x128xf32, #tpu.memory_space<vmem>>, vector<1000x128xf32>
    %add3A_19 = arith.addf %add3A_15, %get3A_18 : vector<1000x128xf32>
    %broadcast_in_dim3A = vector.shape_cast %rsqrt3A : vector<1000xf32> to vector<1000x1xf32>
    %mul3A = vector.broadcast %broadcast_in_dim3A : vector<1000x1xf32> to vector<1000x128xf32>
    %mul3A_20 = arith.mulf %add3A_19, %mul3A : vector<1000x128xf32>
    %get3A_21 = arith.constant 0 : index
    %get3A_22 = arith.constant 0 : index
    %get3A_23 = vector.load %arg4[%get3A_21, %get3A_22] : memref<128x128xf32, #tpu.memory_space<vmem>>, vector<128x128xf32>
    %dot_general3A = arith.constant dense<0.000000e+00> : vector<1000x128xf32>
    %dot_general3A_24 = tpu.matmul %mul3A_20, %get3A_23, %dot_general3A {dimension_numbers = #tpu.dot_dimension_numbers<[1], [1], [0], [0], [0, 0, 1, 0], [], []>, transpose_lhs_hint = false} : vector<1000x128xf32>, vector<128x128xf32>, vector<1000x128xf32> -> vector<1000x128xf32>
    %get3A_25 = arith.constant 0 : index
    %get3A_26 = arith.constant 0 : index
    %get3A_27 = vector.load %arg5[%get3A_25, %get3A_26] : memref<1x128xf32, #tpu.memory_space<vmem>>, vector<1x128xf32>
    %add3A_28 = vector.broadcast %get3A_27 : vector<1x128xf32> to vector<1000x128xf32>
    %add3A_29 = arith.addf %dot_general3A_24, %add3A_28 : vector<1000x128xf32>
    %max3A = arith.constant 0.000000e+00 : f32
    %max3A_30 = vector.broadcast %max3A : f32 to vector<1000x128xf32>
    %max3A_31 = arith.maximumf %add3A_29, %max3A_30 : vector<1000x128xf32>
    %get3A_32 = arith.constant 0 : index
    %get3A_33 = arith.constant 0 : index
    %get3A_34 = vector.load %arg6[%get3A_32, %get3A_33] : memref<40x128xf32, #tpu.memory_space<vmem>>, vector<40x128xf32>
    %dot_general3A_35 = arith.constant dense<0.000000e+00> : vector<1000x40xf32>
    %dot_general3A_36 = tpu.matmul %max3A_31, %get3A_34, %dot_general3A_35 {dimension_numbers = #tpu.dot_dimension_numbers<[1], [1], [0], [0], [0, 0, 1, 0], [], []>, transpose_lhs_hint = false} : vector<1000x128xf32>, vector<40x128xf32>, vector<1000x40xf32> -> vector<1000x40xf32>
    %get3A_37 = arith.constant 0 : index
    %get3A_38 = arith.constant 0 : index
    %get3A_39 = vector.load %arg7[%get3A_37, %get3A_38] : memref<1x40xf32, #tpu.memory_space<vmem>>, vector<1x40xf32>
    %add3A_40 = vector.broadcast %get3A_39 : vector<1x40xf32> to vector<1000x40xf32>
    %add3A_41 = arith.addf %dot_general3A_36, %add3A_40 : vector<1000x40xf32>
    %reduce_max3A = arith.constant dense<0xFF800000> : vector<1000xf32>
    %reduce_max3A_42 = vector.multi_reduction <maximumf>, %add3A_41, %reduce_max3A [1] : vector<1000x40xf32> to vector<1000xf32>
    %broadcast_in_dim3A_43 = vector.shape_cast %reduce_max3A_42 : vector<1000xf32> to vector<1000x1xf32>
    %sub3A = vector.broadcast %broadcast_in_dim3A_43 : vector<1000x1xf32> to vector<1000x40xf32>
    %sub3A_44 = arith.subf %add3A_41, %sub3A : vector<1000x40xf32>
    %exp3A = math.exp %sub3A_44 : vector<1000x40xf32>
    %reduce_sum3A_45 = arith.constant dense<0.000000e+00> : vector<1000xf32>
    %reduce_sum3A_46 = vector.multi_reduction <add>, %exp3A, %reduce_sum3A_45 [1] : vector<1000x40xf32> to vector<1000xf32>
    %broadcast_in_dim3A_47 = vector.shape_cast %reduce_sum3A_46 : vector<1000xf32> to vector<1000x1xf32>
    %log3A = math.log %broadcast_in_dim3A_47 : vector<1000x1xf32>
    %add3A_48 = arith.addf %log3A, %broadcast_in_dim3A_43 : vector<1000x1xf32>
    %sub3A_49 = vector.broadcast %add3A_48 : vector<1000x1xf32> to vector<1000x40xf32>
    %sub3A_50 = arith.subf %add3A_41, %sub3A_49 : vector<1000x40xf32>
    %swap3A = arith.constant 0 : index
    %swap3A_51 = arith.constant 0 : index
    %swap3A_52 = vector.load %arg8[%swap3A, %swap3A_51] : memref<1000x40xf32, #tpu.memory_space<vmem>>, vector<1000x40xf32>
    tpu.vector_store %arg8[%swap3A, %swap3A_51], %sub3A_50 {strides = array<i32>} : memref<1000x40xf32, #tpu.memory_space<vmem>>, vector<1000x40xf32>,
    return
  }
  func.func @transform_0(%arg0: i32) -> (i32, i32, i32) {
    %c0_i32 = arith.constant 0 : i32
    %c0_i32_0 = arith.constant 0 : i32
    %c0_i32_1 = arith.constant 0 : i32
    return %c0_i32, %arg0, %c0_i32_0 : i32, i32, i32
  }
  func.func @transform_1(%arg0: i32) -> (i32, i32) {
    %c0_i32 = arith.constant 0 : i32
    %c0_i32_0 = arith.constant 0 : i32
    return %arg0, %c0_i32 : i32, i32
  }
  func.func @transform_2(%arg0: i32) -> (i32, i32) {
    %c0_i32 = arith.constant 0 : i32
    %c0_i32_0 = arith.constant 0 : i32
    return %arg0, %c0_i32 : i32, i32
  }
  func.func @transform_3(%arg0: i32) -> (i32, i32) {
    %c0_i32 = arith.constant 0 : i32
    %c0_i32_0 = arith.constant 0 : i32
    %c0_i32_1 = arith.constant 0 : i32
    return %c0_i32, %c0_i32_0 : i32, i32
  }
  func.func @transform_4(%arg0: i32) -> (i32, i32) {
    %c0_i32 = arith.constant 0 : i32
    %c0_i32_0 = arith.constant 0 : i32
    %c0_i32_1 = arith.constant 0 : i32
    return %c0_i32, %c0_i32_0 : i32, i32
  }
  func.func @transform_5(%arg0: i32) -> (i32, i32) {
    %c0_i32 = arith.constant 0 : i32
    %c0_i32_0 = arith.constant 0 : i32
    %c0_i32_1 = arith.constant 0 : i32
    return %c0_i32, %c0_i32_0 : i32, i32
  }
  func.func @transform_6(%arg0: i32) -> (i32, i32) {
    %c0_i32 = arith.constant 0 : i32
    %c0_i32_0 = arith.constant 0 : i32
    %c0_i32_1 = arith.constant 0 : i32
    return %c0_i32, %c0_i32_0 : i32, i32
  }
  func.func @transform_7(%arg0: i32) -> (i32, i32) {
    %c0_i32 = arith.constant 0 : i32
    %c0_i32_0 = arith.constant 0 : i32
    return %arg0, %c0_i32 : i32, i32
  }
}

</mosaic_0001>

<sc_bundles>
// kernel: kernel.12.cloned.1.call-start
scs
__scs_entry_jumppad:
0x0: {  	(pc) =	sbr.rel $0x88, $3  }
0x1: {  	(tag) =	ssettag $0x0;
	lr =	simm.s32 $0x1  }
0x2: {  	[smem:$0x3F99] =	sst lr;
	_ =	strace $0xD0000000  }
0x3: {  	_ = 	snop  }
0x4: {  	_ = 	snop  }
0x5: {  	_ = 	snop  }
0x6: {  	_ = 	snop  }
0x7: {  	_ = 	snop  }
__scs_overlays_trampoline_lowered:
0x8: {  	[smem:$0x3FA8] =	sst s0  }
0x9: {  	[smem:$0x3FA9] =	sst s1  }
0xa: {  	[smem:$0x3FAA] =	sst s2  }
0xb: {  	[smem:$0x3FAB] =	sst s3  }
0xc: {  	[smem:$0x3FAC] =	sst s4  }
0xd: {  	[smem:$0x3FAD] =	sst s5  }
0xe: {  	[smem:$0x3FAE] =	sst s6  }
0xf: {  	[smem:$0x3FAF] =	sst s7  }
0x10: {  	[smem:$0x3FB0] =	sst s8  }
0x11: {  	[smem:$0x3FB1] =	sst s9;
	s0 =	simm.s32 @!p0 $0x0  }
0x12: {  	s1 =	sld [smem:$0x3F97];
	s0 =	simm.s32 @p0 $0x1  }
0x13: {  	[smem:$0x3FB2] =	sst s0;
	s0 =	simm.s32 @!p1 $0x0  }
0x14: {  	s2 =	sld [smem:$0x3F96];
	s0 =	simm.s32 @p1 $0x1  }
0x15: {  	[smem:$0x3FB3] =	sst s0;
	s0 =	simm.s32 @!p2 $0x0  }
0x16: {  	s3 =	sld [smem:$0x3FDB];
	s0 =	simm.s32 @p2 $0x1  }
0x17: {  	s4 =	simm.s32 $0x1BF5;
	[smem:$0x3FB5] =	sst s0  }
0x18: {  	s0 =	sld [smem:$0x3F98];
	_ =	swait.ge [sflag:s4], $0x0  }
0x19: {  	s7 =	sld [smem:$0x3F99]  }
0x1a: {  	s8 =	sadd.s32 $0xFFFFE003, lr  }
0x1b: {  	s9 =	sadd.s32 $0xFFFFFEF7, lr;
	s5 =	simm.s32 $0xFFFFFFFF;
	p2 =	slt.u32 s8, $0xFFFFF086  }
0x1c: {  	p1 =	slt.u32 s9, $0xF7A;
	s5 =	simm.s32 @!p2 $0x0  }
0x1d: {  	s5 =	simm.s32 @p1 $0x1;
	p0 =	seq.s32 s7, s2  }
0x1e: {  	s7 =	smul.u32 @!p0 $0xF7A, s2;
	p2 =	seq.s32 @!p0 s5, $0x0  }
0x1f: {  	s9 =	smul.u32 $0xF7A, s1;
	s8 =	simm.s32 @!p0 $0x1BF5;
	p2 =	por !p2, p0  }
0x20: {  	[sflag:s8] =	ssyncset.s32 @!p0 $0xFFFFF086;
	s6 =	sadd.s32 @!p0 s3, s7;
	s7 =	simm.s32 @!p0 $0x108  }
0x21: {  	s3 =	sadd.s32 s3, s9;
	s6 =	sadd.s32 @!p0 $0x88, s6;
	s7 =	simm.s32 @p2 $0x1082  }
0x22: {  	[simem:s7], [sflag:s8] =	dma.local @!p0 [hbm:s6], $0xF7A  }
0x23: {  	s9 =	sor.u32 $0xD0000000, s2;
	s6 =	simm.s32 $0x108;
	_ =	swait.ge @!p0 [sflag:s8], $0x0  }
0x24: {  	s3 =	sadd.s32 $0x88, s3;
	s6 =	simm.s32 @!p1 $0x1082;
	[sflag:s4] =	ssyncset.s32 $0xFFFFF086  }
0x25: {  	[simem:s6], [sflag:s4] =	dma.local [hbm:s3], $0xF7A  }
0x26: {  	[smem:$0x3F99] =	sst s1;
	(tag) =	ssettag s2;
	_ =	strace s9  }
0x27: {  	s1 =	sld [smem:$0x3FA9]  }
0x28: {  	s2 =	sld [smem:$0x3FAA]  }
0x29: {  	s4 =	sld [smem:$0x3FAC]  }
0x2a: {  	p0 =	seq.s32 s5, $0x0;
	s5 =	sld [smem:$0x3FAD]  }
0x2b: {  	s6 =	sld [smem:$0x3FAE]  }
0x2c: {  	s7 =	sld [smem:$0x3FAF]  }
0x2d: {  	s3 =	simm.s32 $0x108;
	s8 =	sld [smem:$0x3FB0]  }
0x2e: {  	s3 =	simm.s32 @!p0 $0x1082;
	s9 =	sld [smem:$0x3FB1]  }
0x2f: {  	lr =	sadd.s32 s0, s3;
	s0 =	sld [smem:$0x3FA8]  }
0x30: {  	s3 =	sld [smem:$0x3FAB]  }
0x31: {  	[smem:$0x3FB4] =	sst s10  }
0x32: {  	s10 =	sld [smem:$0x3FB2];
	_ =	sdelay $0x3  }
0x33: {  	p0 =	seq.s32 s10, $0x1;
	s10 =	sld [smem:$0x3FB4];
	_ =	sdelay $0x3  }
0x34: {  	[smem:$0x3FB4] =	sst s10  }
0x35: {  	s10 =	sld [smem:$0x3FB3];
	_ =	sdelay $0x3  }
0x36: {  	p1 =	seq.s32 s10, $0x1;
	s10 =	sld [smem:$0x3FB4];
	_ =	sdelay $0x3  }
0x37: {  	[smem:$0x3FB4] =	sst s10  }
0x38: {  	s10 =	sld [smem:$0x3FB5]  }
0x39: {  	_ = 	snop;
	(pc) =	sbr.ind lr, $3  }
0x3a: {  	_ = 	snop  }
0x3b: {  	_ = 	snop  }
0x3c: {  	p2 =	seq.s32 s10, $0x1;
	s10 =	sld [smem:$0x3FB4]  }
0x3d: {  	_ =	shalt  }
0x3e: {  	_ =	shalt  }
0x3f: {  	_ =	shalt  }
0x40: {  	_ =	shalt  }
0x41: {  	_ =	shalt  }
0x42: {  	_ =	shalt  }
0x43: {  	_ =	shalt  }
0x44: {  	_ =	shalt  }
0x45: {  	_ =	shalt  }
0x46: {  	_ =	shalt  }
0x47: {  	_ =	shalt  }
0x48: {  	_ =	shalt  }
0x49: {  	_ =	shalt  }
0x4a: {  	_ =	shalt  }
0x4b: {  	_ =	shalt  }
0x4c: {  	_ =	shalt  }
0x4d: {  	_ =	shalt  }
0x4e: {  	_ =	shalt  }
0x4f: {  	_ =	shalt  }
0x50: {  	_ =	shalt  }
0x51: {  	_ =	shalt  }
0x52: {  	_ =	shalt  }
0x53: {  	_ =	shalt  }
0x54: {  	_ =	shalt  }
0x55: {  	_ =	shalt  }
0x56: {  	_ =	shalt  }
0x57: {  	_ =	shalt  }
0x58: {  	_ =	shalt  }
0x59: {  	_ =	shalt  }
0x5a: {  	_ =	shalt  }
0x5b: {  	_ =	shalt  }
0x5c: {  	_ =	shalt  }
0x5d: {  	_ =	shalt  }
0x5e: {  	_ =	shalt  }
0x5f: {  	_ =	shalt  }
0x60: {  	_ =	shalt  }
0x61: {  	_ =	shalt  }
0x62: {  	_ =	shalt  }
0x63: {  	_ =	shalt  }
0x64: {  	_ =	shalt  }
0x65: {  	_ =	shalt  }
0x66: {  	_ =	shalt  }
0x67: {  	_ =	shalt  }
0x68: {  	_ =	shalt  }
0x69: {  	_ =	shalt  }
0x6a: {  	_ =	shalt  }
0x6b: {  	_ =	shalt  }
0x6c: {  	_ =	shalt  }
0x6d: {  	_ =	shalt  }
0x6e: {  	_ =	shalt  }
0x6f: {  	_ =	shalt  }
0x70: {  	_ =	shalt  }
0x71: {  	_ =	shalt  }
0x72: {  	_ =	shalt  }
0x73: {  	_ =	shalt  }
0x74: {  	_ =	shalt  }
0x75: {  	_ =	shalt  }
0x76: {  	_ =	shalt  }
0x77: {  	_ =	shalt  }
0x78: {  	_ =	shalt  }
0x79: {  	_ =	shalt  }
0x7a: {  	_ =	shalt  }
0x7b: {  	_ =	shalt  }
0x7c: {  	_ =	shalt  }
0x7d: {  	_ =	shalt  }
0x7e: {  	_ =	shalt  }
0x7f: {  	_ =	shalt  }
0x80: {  	_ =	shalt  }
0x81: {  	_ =	shalt  }
0x82: {  	_ =	shalt  }
0x83: {  	_ =	shalt  }
0x84: {  	_ =	shalt  }
0x85: {  	_ =	shalt  }
0x86: {  	_ =	shalt  }
0x87: {  	_ =	shalt  }
.Lfunc_end0:
.L_simem_size_0:
called_computation_lowered:
.L_overlay_start_0:
0x88: {  	s2 =	sld [smem:$0x3FD9]  }
0x89: {  	s3 =	sld [smem:$0x3FFE];
	_ =	sdelay $0x1  }
0x8a: {  	s1 =	srdreg.scid  }
0x8b: {  	s0 =	sand.u32 $0x1, s1  }
0x8c: {  	s17 =	sshll.u32 s0, $0xA;
	s2 =	sadd.s32 s3, s2  }
0x8d: {  	s2 =	sadd.s32 s2, s17  }
0x8e: {  	[smem:$0x3FC0] =	sst s2  }
0x8f: {  	_ = 	snop  }
0x90: {  	s2 =	sld [smem:$0x3FD0];
	(tm) =	ssettm $0x1  }
0x91: {  	s18 =	sld [smem:$0x3FFB];
	_ =	sdelay $0x3  }
0x92: {  	_ =	strace s18  }
0x93: {  	s3 =	sld [smem:$0x3FFC];
	_ =	sdelay $0x3  }
0x94: {  	_ =	strace s3  }
0x95: {  	s3 =	sld [smem:$0x3FFD];
	_ =	sdelay $0x3  }
0x96: {  	_ =	strace s3  }
0x97: {  	_ =	strace $0x8FFFFFFF  }
0x98: {  	s19 =	sld [smem:$0x3FDB];
	_ =	sdelay $0x1  }
0x99: {  	s4 =	simm.s32 $_scs_section_size  }
0x9a: {  	s5 =	simm.s32 $_size__tile_overlayer_lowered;
	s6 =	simm.s32 $_tile_overlayer_lowered  }
0x9b: {  	s22 =	simm.s32 $0x1BFF;
	s21 =	sshll.u32 s6, $0x1;
	s3 =	sadd.s32 s4, s19  }
0x9c: {  	s7 =	simm.s32 $0x0;
	s20 =	sshll.u32 s5, $0x1;
	s5 =	sadd.s32 s21, s3  }
0x9d: {  	[timem:s7], [sflag:s22] =	dma.local [hbm:s5], s20  }
0x9e: {  	_ =	swait.ge [sflag:s22], s20  }
0x9f: {  	s4 =	ssub.s32 $0x0, s20;
	[sflag:s22] =	ssyncset.done $0x0  }
0xa0: {  	[sflag:s22] =	ssyncadd.s32 s4;
	_ =	sdelay $0x1  }
0xa1: {  	s23 =	simm.s32 $0x1B8B  }
0xa2: {  	_ =	swait.ge [sflag:s23], $0x1  }
0xa3: {  	[sflag:s23] =	ssyncset.done $0x0  }
0xa4: {  	s25 =	simm.s32 $0x1B8E;
	s24 =	sld [smem:$0x3FFE];
	[sflag:s23] =	ssyncadd.s32 $0xFFFFFFFF  }
0xa5: {  	s26 =	simm.s32 $execute0_lowered;
	[smem:$0x3FD2] =	sst s25  }
0xa6: {  	s5 =	sshll.u32 s26, $0x1;
	_ =	strace $0x80000046;
	[dreg:$0x1] =	wrdreg $0xFFFFFFFF  }
0xa7: {  	s28 =	simm.s32 $_size_execute0_lowered;
	s3 =	sadd.s32 s3, s5;
	[dreg:$0x0] =	wrdreg $0x0  }
0xa8: {  	s5 =	sshll.u32 s28, $0x1;
	[dreg:$0x2] =	wrdreg s3  }
0xa9: {  	[dreg:$0x3] =	wrdreg s5  }
0xaa: {  	[dreg:$0x4] =	wrdreg $0xC0  }
0xab: {  	_ =	task [dreg:s7], $0x5FFFF  }
0xac: {  	[dreg:$0x1] =	wrdreg $0xFFFFFFFF  }
0xad: {  	[dreg:$0x0] =	wrdreg $0x60  }
0xae: {  	[dreg:$0x2] =	wrdreg s2  }
0xaf: {  	[dreg:$0x3] =	wrdreg s24  }
0xb0: {  	[dreg:$0x4] =	wrdreg $0x1000  }
0xb1: {  	[dreg:$0x5] =	wrdreg $0x9  }
0xb2: {  	_ =	task.clear_ibuf [dreg:s7], $0x6FFFF;
	_ =	strace $0x90000046  }
0xb3: {  	s29 =	simm.s32 $0x9;
	_ =	strace $0x80000048  }
0xb4: {  	_ =	swait.ge [sflag:s29], $0x1  }
0xb5: {  	[sflag:s29] =	ssyncadd.s32 $0xFFFFFFFF  }
0xb6: {  	_ =	strace $0x90000048  }
0xb7: {  	_ =	sfence  }
0xb8: {  	s30 =	sld [smem:$0x0];
	_ =	sdelay $0x2  }
0xb9: {  	s31 =	sshll.u32 s1, $0xD;
	s1 =	sshrl.u32 s1, $0x2  }
0xba: {  	s3 =	sand.u32 $0x4000, s31;
	s1 =	sadd.s32 s1, s30  }
0xbb: {  	s0 =	sor.u32 s3, s0;
	s1 =	sshll.u32 s1, $0x11  }
0xbc: {  	s0 =	sor.u32 s1, s0  }
0xbd: {  	s0 =	sadd.s32 $0x8F2B, s0  }
0xbe: {  	[sflag:s0] =	ssyncadd.remote.s32 $0x1  }
0xbf: {  	_ =	sfence.sel $0xFFFF  }
0xc0: {  	[dreg:$0x0] =	wrdreg $0xFFFFFFFF;
	(pc) =	sbr.abs _section_cstart, $3  }
0xc1: {  	[dreg:$0x1] =	wrdreg $0xFFFFFFFF  }
0xc2: {  	_ =	task.clear_ibuf [dreg:s7], $0x2FFFF;
	_ =	strace $0x9FFFFFFF  }
0xc3: {  	(tm) =	ssettm $0x7FFFFFFF  }
tec
execute0_lowered:
.L_overlay_start_1:
0x0: {  	(tag) =	ssettag $0x1  }
0x1: {  	s6 =	rddreg [dreg:$0x0]  }
0x2: {  	s4 =	rddreg [dreg:$0x1]  }
0x3: {  	s2 =	rddreg [dreg:$0x2]  }
0x4: {  	s0 =	rddreg [dreg:$0x3]  }
0x5: {  	s1 =	stileid.u32;
	s3 =	simm.s32 $0x0;
	s7 =	srdreg.scid  }
0x6: {  	s13 =	simm.s32 $0x10;
	s14 =	simm.s32 $0x0;
	s5 =	smul.u32 $0x280, s1  }
0x7: {  	[smem:$0x7FF] =	sst s3;
	s7 =	sand.u32 $0x1, s7;
	s8 =	smul.u32 $0x500, s1  }
0x8: {  	s30 =	sshll.u32 s1, $0x6;
	s12 =	smul.u32 $0x4F0, s1;
	_ =	strace $0x80000047  }
0x9: {  	s9 =	sshll.u32 s7, $0x7;
	s28 =	ssub.s32 $0x2, s7;
	s7 =	smul.u32 $0x4F00, s7  }
0xa: {  	s10 =	sshrl.u32 s5, $0x3;
	s8 =	sor.u32 s9, s8;
	s11 =	sshrl.u32 s28, $0x1  }
0xb: {  	s29 =	sadd.s32 s5, s2;
	s5 =	sor.u32 $0x1C01, s30;
	s10 =	sadd.s32 s10, s4  }
0xc: {  	s8 =	sshrl.u32 s8, $0x3;
	s9 =	ssub.s32 s28, s11;
	s31 =	sadd.s32 s7, s6  }
0xd: {  	s11 =	simm.s32 $0x80;
	s8 =	sadd.s32 s8, s4;
	s4 =	sadd.s32 $0x3000, s10  }
0xe: {  	s7 =	smax.u32 s9, $0x1;
	s9 =	sshrl.u32 s29, $0x3;
	s10 =	simm.s32 $0x1  }
0xf: {  	v0 =	vimm.f32 $1.000000000e+00;
	s6 =	sadd.s32 $0x3600, s8;
	s8 =	sadd.s32 s12, s31;
	s12 =	simm.s32 $0x20  }
.LBB2_1:
0x10: {  	[spmem:s9], [sflag:s5] =	dma.local [hbm:s4], $0x50  }
0x11: {  	_ =	swait.ge [sflag:s10], $0x50  }
0x12: {  	[sflag:s10] =	ssyncset.done $0x0  }
0x13: {  	[sflag:s10] =	ssyncadd.s32 $0xFFFFFFB0  }
0x14: {  	[tilespmem:$0x0] =	vst v0  }
0x15: {  	[tilespmem:$0x10] =	vst v0  }
0x16: {  	[tilespmem:$0x20] =	vst v0  }
0x17: {  	[tilespmem:$0x30] =	vst v0  }
0x18: {  	[tilespmem:$0x40] =	vst v0  }
0x19: {  	[tilespmem:$0x50] =	vst v0  }
0x1a: {  	[tilespmem:$0x60] =	vst v0  }
0x1b: {  	[tilespmem:$0x70] =	vst v0  }
0x1c: {  	s15 =	sadd.s32 $0x0, s8;
	[bflag:$0x0] =	sbarrier.arrive $0xFFFF  }
0x1d: {  	[tilespmem:s11], [sflag:$0x1] =	stream.linear.gather [hbm4b:s15+s3], $0x80, $0x38;
	[tilespmem:$0x380] =	vst v63  }
0x1e: {  	_ =	swait.ge [sflag:s10], $0x80  }
0x1f: {  	[sflag:s10] =	ssyncset.done $0x0  }
0x20: {  	[sflag:s10] =	ssyncadd.s32 $0xFFFFFF80  }
0x21: {  	[spmem:s2] =	stream.indirect.scatter.add.f32 [tilespmem:s3], [sflag:$0x1], $0x1, s11, s11, $0xb8;
	[tilespmem:$0x380] =	vst v63  }
0x22: {  	_ =	swait.ge [sflag:s10], $0x80  }
0x23: {  	s16 =	simm.s32 $0x20;
	s15 =	simm.s32 $0x10;
	[sflag:s10] =	ssyncset.done $0x0  }
.LBB2_2:
0x24: {  	s17 =	sadd.s32 s15, s8  }
0x25: {  	[sflag:s10] =	ssyncadd.s32 $0xFFFFFF80;
	s15 =	smov.u32 s16;
	s18 =	sadd.s32 $0x10, s16  }
0x26: {  	[tilespmem:s11], [sflag:$0x1] =	stream.linear.gather [hbm4b:s17+s3], $0x80, $0x38;
	[tilespmem:$0x380] =	vst v63  }
0x27: {  	p0 =	sne.s32 s16, $0x4E0;
	_ =	swait.ge [sflag:s10], $0x80  }
.Ltmp0:
0x28: {  	[sflag:s10] =	ssyncset.done $0x0;
	(pc) =	sbr.rel @p0 .LBB2_2-.Ltmp0, $4  }
0x29: {  	[sflag:s10] =	ssyncadd.s32 $0xFFFFFF80  }
0x2a: {  	[spmem:s2] =	stream.indirect.scatter.add.f32 [tilespmem:s3], [sflag:$0x1], $0x1, s11, s11, $0xb8;
	[tilespmem:$0x380] =	vst v63  }
0x2b: {  	_ =	swait.ge [sflag:s10], $0x80  }
0x2c: {  	s16 =	smov.u32 s18;
	[sflag:s10] =	ssyncset.done $0x0  }
0x2d: {  	s15 =	sadd.s32 s15, s8;
	[sflag:s10] =	ssyncadd.s32 $0xFFFFFF80  }
0x2e: {  	[tilespmem:s11], [sflag:$0x1] =	stream.linear.gather [hbm4b:s15+s3], $0x80, $0x38;
	[tilespmem:$0x380] =	vst v63  }
0x2f: {  	_ =	swait.ge [sflag:s10], $0x80  }
0x30: {  	[sflag:s10] =	ssyncset.done $0x0  }
0x31: {  	[sflag:s10] =	ssyncadd.s32 $0xFFFFFF80  }
0x32: {  	[spmem:s2] =	stream.indirect.scatter.add.f32 [tilespmem:s3], [sflag:$0x1], $0x1, s11, s11, $0xb8;
	[tilespmem:$0x380] =	vst v63  }
0x33: {  	_ =	swait.ge [sflag:s10], $0x80  }
0x34: {  	s14 =	sadd.s32 $0x1, s14;
	[sflag:s10] =	ssyncset.done $0x0  }
0x35: {  	p0 =	sne.s32 s14, s7;
	[sflag:s10] =	ssyncadd.s32 $0xFFFFFF80  }
.Ltmp1:
0x36: {  	[bflag:$0x0] =	sbarrier.arrive $0xFFFF;
	(pc) =	sbr.rel @p0 .LBB2_1-.Ltmp1, $4  }
0x37: {  	[hbm:s6@s12], [sflag:s5] =	dma.strided [spmem:s9@s13], $0x50, s10, $0x10   }
0x38: {  	_ =	swait.ge [sflag:s10], $0x50  }
0x39: {  	[sflag:s10] =	ssyncset.done $0x0  }
0x3a: {  	[sflag:s10] =	ssyncadd.s32 $0xFFFFFFB0  }
0x3b: {  	_ =	sfence.sel $0x180000  }
0x3c: {  	[bflag:$0x0] =	sbarrier.arrive $0xFFFF  }
0x3d: {  	p0 =	sne.s32 s1, $0x0;
	_ =	strace $0x90000047  }
0x3e: {  	s0 =	sadd.s32 @!p0 $0x100000, s0;
	[bflag:$0x2] =	sbarrier.arrive $0xFFFF  }
0x3f: {  	[sflag:s0] =	ssyncadd.tile.s32 @!p0 $0x1;
	_ =	shalt  }
.Lfunc_end2:
_tile_overlayer_lowered:
.L_overlay_start_2:
0x40: {  	(tag) =	ssettag $0x2  }
0x41: {  	s0 =	rddreg [dreg:$0x0];
	s2 =	stileid.u32  }
0x42: {  	s1 =	rddreg [dreg:$0x1];
	p0 =	sne.s32 s2, $0x0  }
0x43: {  	s3 =	rddreg [dreg:$0x2];
	[bflag:$0x3] =	sbarrier.arrive $0xFFFF;
	s2 =	simm.s32 @!p0 $0x1C01  }
0x44: {  	[timem:s3], [sflag:s2] =	dma.local @!p0 [hbm:s0], s1  }
0x45: {  	s0 =	simm.s32 @!p0 $0x1  }
0x46: {  	_ =	swait.ge @!p0 [sflag:s0], s1  }
0x47: {  	s1 =	ssub.s32 @!p0 $0x0, s1;
	[sflag:s0] =	ssyncset.done @!p0 $0x0  }
0x48: {  	[sflag:s0] =	ssyncadd.s32 @!p0 s1  }
0x49: {  	[bflag:$0x3] =	sbarrier.arrive $0xFFFF  }
0x4a: {  	_ =	shalt  }

// kernel: kernel.15.cloned.1.call-start
scs
__scs_entry_jumppad:
0x0: {  	(pc) =	sbr.rel $0x88, $3  }
0x1: {  	(tag) =	ssettag $0x0;
	lr =	simm.s32 $0x1  }
0x2: {  	[smem:$0x3F99] =	sst lr;
	_ =	strace $0xD0000000  }
0x3: {  	_ = 	snop  }
0x4: {  	_ = 	snop  }
0x5: {  	_ = 	snop  }
0x6: {  	_ = 	snop  }
0x7: {  	_ = 	snop  }
__scs_overlays_trampoline_lowered:
0x8: {  	[smem:$0x3FA8] =	sst s0  }
0x9: {  	[smem:$0x3FA9] =	sst s1  }
0xa: {  	[smem:$0x3FAA] =	sst s2  }
0xb: {  	[smem:$0x3FAB] =	sst s3  }
0xc: {  	[smem:$0x3FAC] =	sst s4  }
0xd: {  	[smem:$0x3FAD] =	sst s5  }
0xe: {  	[smem:$0x3FAE] =	sst s6  }
0xf: {  	[smem:$0x3FAF] =	sst s7  }
0x10: {  	[smem:$0x3FB0] =	sst s8  }
0x11: {  	[smem:$0x3FB1] =	sst s9;
	s0 =	simm.s32 @!p0 $0x0  }
0x12: {  	s1 =	sld [smem:$0x3F97];
	s0 =	simm.s32 @p0 $0x1  }
0x13: {  	[smem:$0x3FB2] =	sst s0;
	s0 =	simm.s32 @!p1 $0x0  }
0x14: {  	s2 =	sld [smem:$0x3F96];
	s0 =	simm.s32 @p1 $0x1  }
0x15: {  	[smem:$0x3FB3] =	sst s0;
	s0 =	simm.s32 @!p2 $0x0  }
0x16: {  	s3 =	sld [smem:$0x3FDB];
	s0 =	simm.s32 @p2 $0x1  }
0x17: {  	s4 =	simm.s32 $0x1BF5;
	[smem:$0x3FB5] =	sst s0  }
0x18: {  	s0 =	sld [smem:$0x3F98];
	_ =	swait.ge [sflag:s4], $0x0  }
0x19: {  	s7 =	sld [smem:$0x3F99]  }
0x1a: {  	s8 =	sadd.s32 $0xFFFFE003, lr  }
0x1b: {  	s9 =	sadd.s32 $0xFFFFFEF7, lr;
	s5 =	simm.s32 $0xFFFFFFFF;
	p2 =	slt.u32 s8, $0xFFFFF086  }
0x1c: {  	p1 =	slt.u32 s9, $0xF7A;
	s5 =	simm.s32 @!p2 $0x0  }
0x1d: {  	s5 =	simm.s32 @p1 $0x1;
	p0 =	seq.s32 s7, s2  }
0x1e: {  	s7 =	smul.u32 @!p0 $0xF7A, s2;
	p2 =	seq.s32 @!p0 s5, $0x0  }
0x1f: {  	s9 =	smul.u32 $0xF7A, s1;
	s8 =	simm.s32 @!p0 $0x1BF5;
	p2 =	por !p2, p0  }
0x20: {  	[sflag:s8] =	ssyncset.s32 @!p0 $0xFFFFF086;
	s6 =	sadd.s32 @!p0 s3, s7;
	s7 =	simm.s32 @!p0 $0x108  }
0x21: {  	s3 =	sadd.s32 s3, s9;
	s6 =	sadd.s32 @!p0 $0x88, s6;
	s7 =	simm.s32 @p2 $0x1082  }
0x22: {  	[simem:s7], [sflag:s8] =	dma.local @!p0 [hbm:s6], $0xF7A  }
0x23: {  	s9 =	sor.u32 $0xD0000000, s2;
	s6 =	simm.s32 $0x108;
	_ =	swait.ge @!p0 [sflag:s8], $0x0  }
0x24: {  	s3 =	sadd.s32 $0x88, s3;
	s6 =	simm.s32 @!p1 $0x1082;
	[sflag:s4] =	ssyncset.s32 $0xFFFFF086  }
0x25: {  	[simem:s6], [sflag:s4] =	dma.local [hbm:s3], $0xF7A  }
0x26: {  	[smem:$0x3F99] =	sst s1;
	(tag) =	ssettag s2;
	_ =	strace s9  }
0x27: {  	s1 =	sld [smem:$0x3FA9]  }
0x28: {  	s2 =	sld [smem:$0x3FAA]  }
0x29: {  	s4 =	sld [smem:$0x3FAC]  }
0x2a: {  	p0 =	seq.s32 s5, $0x0;
	s5 =	sld [smem:$0x3FAD]  }
0x2b: {  	s6 =	sld [smem:$0x3FAE]  }
0x2c: {  	s7 =	sld [smem:$0x3FAF]  }
0x2d: {  	s3 =	simm.s32 $0x108;
	s8 =	sld [smem:$0x3FB0]  }
0x2e: {  	s3 =	simm.s32 @!p0 $0x1082;
	s9 =	sld [smem:$0x3FB1]  }
0x2f: {  	lr =	sadd.s32 s0, s3;
	s0 =	sld [smem:$0x3FA8]  }
0x30: {  	s3 =	sld [smem:$0x3FAB]  }
0x31: {  	[smem:$0x3FB4] =	sst s10  }
0x32: {  	s10 =	sld [smem:$0x3FB2];
	_ =	sdelay $0x3  }
0x33: {  	p0 =	seq.s32 s10, $0x1;
	s10 =	sld [smem:$0x3FB4];
	_ =	sdelay $0x3  }
0x34: {  	[smem:$0x3FB4] =	sst s10  }
0x35: {  	s10 =	sld [smem:$0x3FB3];
	_ =	sdelay $0x3  }
0x36: {  	p1 =	seq.s32 s10, $0x1;
	s10 =	sld [smem:$0x3FB4];
	_ =	sdelay $0x3  }
0x37: {  	[smem:$0x3FB4] =	sst s10  }
0x38: {  	s10 =	sld [smem:$0x3FB5]  }
0x39: {  	_ = 	snop;
	(pc) =	sbr.ind lr, $3  }
0x3a: {  	_ = 	snop  }
0x3b: {  	_ = 	snop  }
0x3c: {  	p2 =	seq.s32 s10, $0x1;
	s10 =	sld [smem:$0x3FB4]  }
0x3d: {  	_ =	shalt  }
0x3e: {  	_ =	shalt  }
0x3f: {  	_ =	shalt  }
0x40: {  	_ =	shalt  }
0x41: {  	_ =	shalt  }
0x42: {  	_ =	shalt  }
0x43: {  	_ =	shalt  }
0x44: {  	_ =	shalt  }
0x45: {  	_ =	shalt  }
0x46: {  	_ =	shalt  }
0x47: {  	_ =	shalt  }
0x48: {  	_ =	shalt  }
0x49: {  	_ =	shalt  }
0x4a: {  	_ =	shalt  }
0x4b: {  	_ =	shalt  }
0x4c: {  	_ =	shalt  }
0x4d: {  	_ =	shalt  }
0x4e: {  	_ =	shalt  }
0x4f: {  	_ =	shalt  }
0x50: {  	_ =	shalt  }
0x51: {  	_ =	shalt  }
0x52: {  	_ =	shalt  }
0x53: {  	_ =	shalt  }
0x54: {  	_ =	shalt  }
0x55: {  	_ =	shalt  }
0x56: {  	_ =	shalt  }
0x57: {  	_ =	shalt  }
0x58: {  	_ =	shalt  }
0x59: {  	_ =	shalt  }
0x5a: {  	_ =	shalt  }
0x5b: {  	_ =	shalt  }
0x5c: {  	_ =	shalt  }
0x5d: {  	_ =	shalt  }
0x5e: {  	_ =	shalt  }
0x5f: {  	_ =	shalt  }
0x60: {  	_ =	shalt  }
0x61: {  	_ =	shalt  }
0x62: {  	_ =	shalt  }
0x63: {  	_ =	shalt  }
0x64: {  	_ =	shalt  }
0x65: {  	_ =	shalt  }
0x66: {  	_ =	shalt  }
0x67: {  	_ =	shalt  }
0x68: {  	_ =	shalt  }
0x69: {  	_ =	shalt  }
0x6a: {  	_ =	shalt  }
0x6b: {  	_ =	shalt  }
0x6c: {  	_ =	shalt  }
0x6d: {  	_ =	shalt  }
0x6e: {  	_ =	shalt  }
0x6f: {  	_ =	shalt  }
0x70: {  	_ =	shalt  }
0x71: {  	_ =	shalt  }
0x72: {  	_ =	shalt  }
0x73: {  	_ =	shalt  }
0x74: {  	_ =	shalt  }
0x75: {  	_ =	shalt  }
0x76: {  	_ =	shalt  }
0x77: {  	_ =	shalt  }
0x78: {  	_ =	shalt  }
0x79: {  	_ =	shalt  }
0x7a: {  	_ =	shalt  }
0x7b: {  	_ =	shalt  }
0x7c: {  	_ =	shalt  }
0x7d: {  	_ =	shalt  }
0x7e: {  	_ =	shalt  }
0x7f: {  	_ =	shalt  }
0x80: {  	_ =	shalt  }
0x81: {  	_ =	shalt  }
0x82: {  	_ =	shalt  }
0x83: {  	_ =	shalt  }
0x84: {  	_ =	shalt  }
0x85: {  	_ =	shalt  }
0x86: {  	_ =	shalt  }
0x87: {  	_ =	shalt  }
.Lfunc_end0:
.L_simem_size_0:
called_computation.1_lowered:
.L_overlay_start_0:
0x88: {  	s2 =	sld [smem:$0x3FD9]  }
0x89: {  	s3 =	sld [smem:$0x3FFE];
	_ =	sdelay $0x1  }
0x8a: {  	s1 =	srdreg.scid  }
0x8b: {  	s0 =	sand.u32 $0x1, s1  }
0x8c: {  	s17 =	sshll.u32 s0, $0xA;
	s2 =	sadd.s32 s3, s2  }
0x8d: {  	s2 =	sadd.s32 s2, s17  }
0x8e: {  	[smem:$0x3FC0] =	sst s2  }
0x8f: {  	_ = 	snop  }
0x90: {  	s2 =	sld [smem:$0x3FD0];
	(tm) =	ssettm $0x1  }
0x91: {  	s18 =	sld [smem:$0x3FFB];
	_ =	sdelay $0x3  }
0x92: {  	_ =	strace s18  }
0x93: {  	s3 =	sld [smem:$0x3FFC];
	_ =	sdelay $0x3  }
0x94: {  	_ =	strace s3  }
0x95: {  	s3 =	sld [smem:$0x3FFD];
	_ =	sdelay $0x3  }
0x96: {  	_ =	strace s3  }
0x97: {  	_ =	strace $0x8FFFFFFF  }
0x98: {  	s19 =	sld [smem:$0x3FDB];
	_ =	sdelay $0x1  }
0x99: {  	s4 =	simm.s32 $_scs_section_size  }
0x9a: {  	s5 =	simm.s32 $_size__tile_overlayer_lowered;
	s6 =	simm.s32 $_tile_overlayer_lowered  }
0x9b: {  	s22 =	simm.s32 $0x1BFF;
	s21 =	sshll.u32 s6, $0x1;
	s3 =	sadd.s32 s4, s19  }
0x9c: {  	s7 =	simm.s32 $0x0;
	s20 =	sshll.u32 s5, $0x1;
	s5 =	sadd.s32 s21, s3  }
0x9d: {  	[timem:s7], [sflag:s22] =	dma.local [hbm:s5], s20  }
0x9e: {  	_ =	swait.ge [sflag:s22], s20  }
0x9f: {  	s4 =	ssub.s32 $0x0, s20;
	[sflag:s22] =	ssyncset.done $0x0  }
0xa0: {  	[sflag:s22] =	ssyncadd.s32 s4;
	_ =	sdelay $0x1  }
0xa1: {  	s23 =	simm.s32 $0x1B8B  }
0xa2: {  	_ =	swait.ge [sflag:s23], $0x1  }
0xa3: {  	[sflag:s23] =	ssyncset.done $0x0  }
0xa4: {  	s25 =	simm.s32 $0x1B8E;
	s24 =	sld [smem:$0x3FFE];
	[sflag:s23] =	ssyncadd.s32 $0xFFFFFFFF  }
0xa5: {  	s26 =	simm.s32 $execute0_lowered;
	[smem:$0x3FD2] =	sst s25  }
0xa6: {  	s5 =	sshll.u32 s26, $0x1;
	_ =	strace $0x80000049;
	[dreg:$0x1] =	wrdreg $0xFFFFFFFF  }
0xa7: {  	s28 =	simm.s32 $_size_execute0_lowered;
	s3 =	sadd.s32 s3, s5;
	[dreg:$0x0] =	wrdreg $0x0  }
0xa8: {  	s5 =	sshll.u32 s28, $0x1;
	[dreg:$0x2] =	wrdreg s3  }
0xa9: {  	[dreg:$0x3] =	wrdreg s5  }
0xaa: {  	[dreg:$0x4] =	wrdreg $0xC0  }
0xab: {  	_ =	task [dreg:s7], $0x5FFFF  }
0xac: {  	[dreg:$0x1] =	wrdreg $0xFFFFFFFF  }
0xad: {  	[dreg:$0x0] =	wrdreg $0x60  }
0xae: {  	[dreg:$0x2] =	wrdreg s24  }
0xaf: {  	[dreg:$0x3] =	wrdreg s2  }
0xb0: {  	[dreg:$0x4] =	wrdreg $0x41000  }
0xb1: {  	[dreg:$0x5] =	wrdreg $0x9  }
0xb2: {  	_ =	task.clear_ibuf [dreg:s7], $0x6FFFF;
	_ =	strace $0x90000049  }
0xb3: {  	s29 =	simm.s32 $0x9;
	_ =	strace $0x8000004B  }
0xb4: {  	_ =	swait.ge [sflag:s29], $0x1  }
0xb5: {  	[sflag:s29] =	ssyncadd.s32 $0xFFFFFFFF  }
0xb6: {  	_ =	strace $0x9000004B  }
0xb7: {  	_ =	sfence  }
0xb8: {  	s30 =	sld [smem:$0x0];
	_ =	sdelay $0x2  }
0xb9: {  	s31 =	sshll.u32 s1, $0xD;
	s1 =	sshrl.u32 s1, $0x2  }
0xba: {  	s3 =	sand.u32 $0x4000, s31;
	s1 =	sadd.s32 s1, s30  }
0xbb: {  	s0 =	sor.u32 s3, s0;
	s1 =	sshll.u32 s1, $0x11  }
0xbc: {  	s0 =	sor.u32 s1, s0  }
0xbd: {  	s0 =	sadd.s32 $0x8F2B, s0  }
0xbe: {  	[sflag:s0] =	ssyncadd.remote.s32 $0x1  }
0xbf: {  	_ =	sfence.sel $0xFFFF  }
0xc0: {  	[dreg:$0x0] =	wrdreg $0xFFFFFFFF;
	(pc) =	sbr.abs _section_cstart, $3  }
0xc1: {  	[dreg:$0x1] =	wrdreg $0xFFFFFFFF  }
0xc2: {  	_ =	task.clear_ibuf [dreg:s7], $0x2FFFF;
	_ =	strace $0x9FFFFFFF  }
0xc3: {  	(tm) =	ssettm $0x7FFFFFFF  }
tec
execute0_lowered:
.L_overlay_start_1:
0x0: {  	(tag) =	ssettag $0x1  }
0x1: {  	s5 =	rddreg [dreg:$0x0]  }
0x2: {  	s8 =	rddreg [dreg:$0x1]  }
0x3: {  	s0 =	srdreg.scid;
	s1 =	stileid.u32  }
0x4: {  	s2 =	rddreg [dreg:$0x2];
	s7 =	smul.u32 $0x14000, s1  }
0x5: {  	s3 =	simm.s32 $0x0;
	s15 =	simm.s32 $0x1;
	s13 =	smul.u32 $0x50000, s1  }
0x6: {  	s6 =	sand.u32 $0x1, s0;
	s0 =	rddreg [dreg:$0x3];
	s31 =	smul.u32 $0x4F0, s1  }
0x7: {  	s16 =	simm.s32 $0x0;
	[smem:$0x7FF] =	sst s3;
	s9 =	smul.u32 $0x4F00, s6  }
0x8: {  	s4 =	sadd.s32 $0xDE00, s5;
	s30 =	sshll.u32 s1, $0x6;
	s10 =	smul.u32 $0x140000, s6  }
0x9: {  	_ =	strace $0x8000004A;
	s6 =	ssub.s32 $0x2, s6;
	s12 =	sshrl.u32 s7, $0x3  }
0xa: {  	s28 =	sshrl.u32 s6, $0x1;
	s29 =	sshrl.u32 s13, $0x2;
	s13 =	simm.s32 $0x80  }
0xb: {  	s11 =	sadd.s32 s9, s5;
	s7 =	sadd.s32 s7, s10;
	s12 =	sadd.s32 s12, s5  }
0xc: {  	s10 =	ssub.s32 s6, s28;
	s14 =	sadd.s32 s29, s2;
	s6 =	sor.u32 $0x1C02, s30  }
0xd: {  	s9 =	sadd.s32 s9, s8;
	s7 =	sshrl.u32 s7, $0x3;
	s11 =	sadd.s32 s31, s11  }
0xe: {  	s8 =	smax.u32 s10, $0x1;
	s9 =	sadd.s32 s31, s9;
	s7 =	sadd.s32 s7, s5  }
0xf: {  	s5 =	sadd.s32 $0x35000, s12;
	s10 =	sadd.s32 $0x4000, s11;
	s11 =	sshrl.u32 s14, $0x3  }
0x10: {  	s12 =	simm.s32 $0x2;
	s14 =	simm.s32 $0x100;
	s7 =	sadd.s32 $0x5D000, s7  }
.LBB2_1:
0x11: {  	[spmem:s11], [sflag:s6] =	dma.local [hbm:s5], $0x2800  }
0x12: {  	_ =	swait.ge [sflag:s12], $0x2800  }
0x13: {  	[sflag:s12] =	ssyncset.done $0x0  }
0x14: {  	[sflag:s12] =	ssyncadd.s32 $0xFFFFD800  }
0x15: {  	s17 =	sadd.s32 $0x0, s10;
	[bflag:$0x0] =	sbarrier.arrive $0xFFFF  }
0x16: {  	[tilespmem:s3], [sflag:$0x2] =	stream.linear.gather [hbm4b:s17+s3], $0x80, $0x38;
	[tilespmem:$0x18100] =	vst v63  }
0x17: {  	_ =	swait.ge [sflag:s12], $0x80  }
0x18: {  	[sflag:s12] =	ssyncset.done $0x0  }
0x19: {  	s31 =	sadd.s32 $0x0, s9;
	[sflag:s12] =	ssyncadd.s32 $0xFFFFFF80  }
0x1a: {  	[tilespmem:s13], [sflag:$0x2] =	stream.linear.gather [hbm4b:s31+s3], $0x80, $0x38;
	[tilespmem:$0x18100] =	vst v63  }
0x1b: {  	_ =	swait.ge [sflag:s12], $0x80  }
0x1c: {  	[sflag:s12] =	ssyncset.done $0x0  }
0x1d: {  	[sflag:s12] =	ssyncadd.s32 $0xFFFFFF80  }
0x1e: {  	[tilespmem:s14], [sflag:$0x1] =	stream.indirect.gather [hbm4b:s4+s13], $0x80, s3, s13, $0xb8;
	[tilespmem:$0x18100] =	vst v63  }
0x1f: {  	_ =	swait.ge [sflag:s15], $0x4000  }
0x20: {  	[sflag:s15] =	ssyncset.done $0x0  }
0x21: {  	[sflag:s15] =	ssyncadd.s32 $0xFFFFC000  }
0x22: {  	[spmem:s2] =	stream.indirect.scatter.add.f32 [tilespmem:s14], [sflag:$0x2], $0x80, s13, s13, $0xb8;
	[tilespmem:$0x18100] =	vst v63  }
0x23: {  	_ =	swait.ge [sflag:s12], $0x4000  }
0x24: {  	s18 =	simm.s32 $0x20;
	s17 =	simm.s32 $0x10;
	[sflag:s12] =	ssyncset.done $0x0  }
.LBB2_2:
0x25: {  	s19 =	sadd.s32 s17, s10  }
0x26: {  	[sflag:s12] =	ssyncadd.s32 $0xFFFFC000;
	s20 =	smov.u32 s18;
	s21 =	sadd.s32 $0x10, s18  }
0x27: {  	[tilespmem:s3], [sflag:$0x2] =	stream.linear.gather [hbm4b:s19+s3], $0x80, $0x38;
	[tilespmem:$0x18100] =	vst v63  }
0x28: {  	p0 =	sne.s32 s18, $0x4E0;
	_ =	swait.ge [sflag:s12], $0x80  }
0x29: {  	[sflag:s12] =	ssyncset.done $0x0  }
0x2a: {  	s18 =	sadd.s32 s17, s9;
	s17 =	smov.u32 s20;
	[sflag:s12] =	ssyncadd.s32 $0xFFFFFF80  }
0x2b: {  	[tilespmem:s13], [sflag:$0x2] =	stream.linear.gather [hbm4b:s18+s3], $0x80, $0x38;
	[tilespmem:$0x18100] =	vst v63  }
0x2c: {  	_ =	swait.ge [sflag:s12], $0x80  }
0x2d: {  	[sflag:s12] =	ssyncset.done $0x0  }
0x2e: {  	[sflag:s12] =	ssyncadd.s32 $0xFFFFFF80  }
0x2f: {  	[tilespmem:s14], [sflag:$0x1] =	stream.indirect.gather [hbm4b:s4+s13], $0x80, s3, s13, $0xb8;
	[tilespmem:$0x18100] =	vst v63  }
0x30: {  	_ =	swait.ge [sflag:s15], $0x4000  }
.Ltmp0:
0x31: {  	[sflag:s15] =	ssyncset.done $0x0;
	(pc) =	sbr.rel @p0 .LBB2_2-.Ltmp0, $4  }
0x32: {  	[sflag:s15] =	ssyncadd.s32 $0xFFFFC000  }
0x33: {  	[spmem:s2] =	stream.indirect.scatter.add.f32 [tilespmem:s14], [sflag:$0x2], $0x80, s13, s13, $0xb8;
	[tilespmem:$0x18100] =	vst v63  }
0x34: {  	_ =	swait.ge [sflag:s12], $0x4000  }
0x35: {  	s18 =	smov.u32 s21;
	[sflag:s12] =	ssyncset.done $0x0  }
0x36: {  	s18 =	sadd.s32 s17, s10;
	[sflag:s12] =	ssyncadd.s32 $0xFFFFC000  }
0x37: {  	[tilespmem:s3], [sflag:$0x2] =	stream.linear.gather [hbm4b:s18+s3], $0x80, $0x38;
	[tilespmem:$0x18100] =	vst v63  }
0x38: {  	_ =	swait.ge [sflag:s12], $0x80  }
0x39: {  	[sflag:s12] =	ssyncset.done $0x0  }
0x3a: {  	s31 =	sadd.s32 s17, s9;
	[sflag:s12] =	ssyncadd.s32 $0xFFFFFF80  }
0x3b: {  	[tilespmem:s13], [sflag:$0x2] =	stream.linear.gather [hbm4b:s31+s3], $0x80, $0x38;
	[tilespmem:$0x18100] =	vst v63  }
0x3c: {  	_ =	swait.ge [sflag:s12], $0x80  }
0x3d: {  	[sflag:s12] =	ssyncset.done $0x0  }
0x3e: {  	[sflag:s12] =	ssyncadd.s32 $0xFFFFFF80  }
0x3f: {  	[tilespmem:s14], [sflag:$0x1] =	stream.indirect.gather [hbm4b:s4+s13], $0x80, s3, s13, $0xb8;
	[tilespmem:$0x18100] =	vst v63  }
0x40: {  	_ =	swait.ge [sflag:s15], $0x4000  }
0x41: {  	[sflag:s15] =	ssyncset.done $0x0  }
0x42: {  	[sflag:s15] =	ssyncadd.s32 $0xFFFFC000  }
0x43: {  	[spmem:s2] =	stream.indirect.scatter.add.f32 [tilespmem:s14], [sflag:$0x2], $0x80, s13, s13, $0xb8;
	[tilespmem:$0x18100] =	vst v63  }
0x44: {  	_ =	swait.ge [sflag:s12], $0x4000  }
0x45: {  	s16 =	sadd.s32 $0x1, s16;
	[sflag:s12] =	ssyncset.done $0x0  }
0x46: {  	p0 =	sne.s32 s16, s8;
	[sflag:s12] =	ssyncadd.s32 $0xFFFFC000  }
.Ltmp1:
0x47: {  	[bflag:$0x0] =	sbarrier.arrive $0xFFFF;
	(pc) =	sbr.rel @p0 .LBB2_1-.Ltmp1, $4  }
0x48: {  	[hbm:s7], [sflag:s6] =	dma.local [spmem:s11], $0x2800  }
0x49: {  	_ =	swait.ge [sflag:s12], $0x2800  }
0x4a: {  	[sflag:s12] =	ssyncset.done $0x0  }
0x4b: {  	[sflag:s12] =	ssyncadd.s32 $0xFFFFD800  }
0x4c: {  	_ =	sfence.sel $0x180000  }
0x4d: {  	[bflag:$0x0] =	sbarrier.arrive $0xFFFF  }
0x4e: {  	p0 =	sne.s32 s1, $0x0;
	_ =	strace $0x9000004A  }
0x4f: {  	s0 =	sadd.s32 @!p0 $0x100000, s0;
	[bflag:$0x2] =	sbarrier.arrive $0xFFFF  }
0x50: {  	[sflag:s0] =	ssyncadd.tile.s32 @!p0 $0x1;
	_ =	shalt  }
.Lfunc_end2:
_tile_overlayer_lowered:
.L_overlay_start_2:
0x51: {  	(tag) =	ssettag $0x2  }
0x52: {  	s0 =	rddreg [dreg:$0x0];
	s2 =	stileid.u32  }
0x53: {  	s1 =	rddreg [dreg:$0x1];
	p0 =	sne.s32 s2, $0x0  }
0x54: {  	s3 =	rddreg [dreg:$0x2];
	[bflag:$0x3] =	sbarrier.arrive $0xFFFF;
	s2 =	simm.s32 @!p0 $0x1C02  }
0x55: {  	[timem:s3], [sflag:s2] =	dma.local @!p0 [hbm:s0], s1  }
0x56: {  	s0 =	simm.s32 @!p0 $0x2  }
0x57: {  	_ =	swait.ge @!p0 [sflag:s0], s1  }
0x58: {  	s1 =	ssub.s32 @!p0 $0x0, s1;
	[sflag:s0] =	ssyncset.done @!p0 $0x0  }
0x59: {  	[sflag:s0] =	ssyncadd.s32 @!p0 s1  }
0x5a: {  	[bflag:$0x3] =	sbarrier.arrive $0xFFFF  }
0x5b: {  	_ =	shalt  }

// kernel: kernel.18.cloned.1.call-start
scs
__scs_entry_jumppad:
0x0: {  	(pc) =	sbr.rel $0x88, $3  }
0x1: {  	(tag) =	ssettag $0x0;
	lr =	simm.s32 $0x1  }
0x2: {  	[smem:$0x3F99] =	sst lr;
	_ =	strace $0xD0000000  }
0x3: {  	_ = 	snop  }
0x4: {  	_ = 	snop  }
0x5: {  	_ = 	snop  }
0x6: {  	_ = 	snop  }
0x7: {  	_ = 	snop  }
__scs_overlays_trampoline_lowered:
0x8: {  	[smem:$0x3FA8] =	sst s0  }
0x9: {  	[smem:$0x3FA9] =	sst s1  }
0xa: {  	[smem:$0x3FAA] =	sst s2  }
0xb: {  	[smem:$0x3FAB] =	sst s3  }
0xc: {  	[smem:$0x3FAC] =	sst s4  }
0xd: {  	[smem:$0x3FAD] =	sst s5  }
0xe: {  	[smem:$0x3FAE] =	sst s6  }
0xf: {  	[smem:$0x3FAF] =	sst s7  }
0x10: {  	[smem:$0x3FB0] =	sst s8  }
0x11: {  	[smem:$0x3FB1] =	sst s9;
	s0 =	simm.s32 @!p0 $0x0  }
0x12: {  	s1 =	sld [smem:$0x3F97];
	s0 =	simm.s32 @p0 $0x1  }
0x13: {  	[smem:$0x3FB2] =	sst s0;
	s0 =	simm.s32 @!p1 $0x0  }
0x14: {  	s2 =	sld [smem:$0x3F96];
	s0 =	simm.s32 @p1 $0x1  }
0x15: {  	[smem:$0x3FB3] =	sst s0;
	s0 =	simm.s32 @!p2 $0x0  }
0x16: {  	s3 =	sld [smem:$0x3FDB];
	s0 =	simm.s32 @p2 $0x1  }
0x17: {  	s4 =	simm.s32 $0x1BF5;
	[smem:$0x3FB5] =	sst s0  }
0x18: {  	s0 =	sld [smem:$0x3F98];
	_ =	swait.ge [sflag:s4], $0x0  }
0x19: {  	s7 =	sld [smem:$0x3F99]  }
0x1a: {  	s8 =	sadd.s32 $0xFFFFE003, lr  }
0x1b: {  	s9 =	sadd.s32 $0xFFFFFEF7, lr;
	s5 =	simm.s32 $0xFFFFFFFF;
	p2 =	slt.u32 s8, $0xFFFFF086  }
0x1c: {  	p1 =	slt.u32 s9, $0xF7A;
	s5 =	simm.s32 @!p2 $0x0  }
0x1d: {  	s5 =	simm.s32 @p1 $0x1;
	p0 =	seq.s32 s7, s2  }
0x1e: {  	s7 =	smul.u32 @!p0 $0xF7A, s2;
	p2 =	seq.s32 @!p0 s5, $0x0  }
0x1f: {  	s9 =	smul.u32 $0xF7A, s1;
	s8 =	simm.s32 @!p0 $0x1BF5;
	p2 =	por !p2, p0  }
0x20: {  	[sflag:s8] =	ssyncset.s32 @!p0 $0xFFFFF086;
	s6 =	sadd.s32 @!p0 s3, s7;
	s7 =	simm.s32 @!p0 $0x108  }
0x21: {  	s3 =	sadd.s32 s3, s9;
	s6 =	sadd.s32 @!p0 $0x88, s6;
	s7 =	simm.s32 @p2 $0x1082  }
0x22: {  	[simem:s7], [sflag:s8] =	dma.local @!p0 [hbm:s6], $0xF7A  }
0x23: {  	s9 =	sor.u32 $0xD0000000, s2;
	s6 =	simm.s32 $0x108;
	_ =	swait.ge @!p0 [sflag:s8], $0x0  }
0x24: {  	s3 =	sadd.s32 $0x88, s3;
	s6 =	simm.s32 @!p1 $0x1082;
	[sflag:s4] =	ssyncset.s32 $0xFFFFF086  }
0x25: {  	[simem:s6], [sflag:s4] =	dma.local [hbm:s3], $0xF7A  }
0x26: {  	[smem:$0x3F99] =	sst s1;
	(tag) =	ssettag s2;
	_ =	strace s9  }
0x27: {  	s1 =	sld [smem:$0x3FA9]  }
0x28: {  	s2 =	sld [smem:$0x3FAA]  }
0x29: {  	s4 =	sld [smem:$0x3FAC]  }
0x2a: {  	p0 =	seq.s32 s5, $0x0;
	s5 =	sld [smem:$0x3FAD]  }
0x2b: {  	s6 =	sld [smem:$0x3FAE]  }
0x2c: {  	s7 =	sld [smem:$0x3FAF]  }
0x2d: {  	s3 =	simm.s32 $0x108;
	s8 =	sld [smem:$0x3FB0]  }
0x2e: {  	s3 =	simm.s32 @!p0 $0x1082;
	s9 =	sld [smem:$0x3FB1]  }
0x2f: {  	lr =	sadd.s32 s0, s3;
	s0 =	sld [smem:$0x3FA8]  }
0x30: {  	s3 =	sld [smem:$0x3FAB]  }
0x31: {  	[smem:$0x3FB4] =	sst s10  }
0x32: {  	s10 =	sld [smem:$0x3FB2];
	_ =	sdelay $0x3  }
0x33: {  	p0 =	seq.s32 s10, $0x1;
	s10 =	sld [smem:$0x3FB4];
	_ =	sdelay $0x3  }
0x34: {  	[smem:$0x3FB4] =	sst s10  }
0x35: {  	s10 =	sld [smem:$0x3FB3];
	_ =	sdelay $0x3  }
0x36: {  	p1 =	seq.s32 s10, $0x1;
	s10 =	sld [smem:$0x3FB4];
	_ =	sdelay $0x3  }
0x37: {  	[smem:$0x3FB4] =	sst s10  }
0x38: {  	s10 =	sld [smem:$0x3FB5]  }
0x39: {  	_ = 	snop;
	(pc) =	sbr.ind lr, $3  }
0x3a: {  	_ = 	snop  }
0x3b: {  	_ = 	snop  }
0x3c: {  	p2 =	seq.s32 s10, $0x1;
	s10 =	sld [smem:$0x3FB4]  }
0x3d: {  	_ =	shalt  }
0x3e: {  	_ =	shalt  }
0x3f: {  	_ =	shalt  }
0x40: {  	_ =	shalt  }
0x41: {  	_ =	shalt  }
0x42: {  	_ =	shalt  }
0x43: {  	_ =	shalt  }
0x44: {  	_ =	shalt  }
0x45: {  	_ =	shalt  }
0x46: {  	_ =	shalt  }
0x47: {  	_ =	shalt  }
0x48: {  	_ =	shalt  }
0x49: {  	_ =	shalt  }
0x4a: {  	_ =	shalt  }
0x4b: {  	_ =	shalt  }
0x4c: {  	_ =	shalt  }
0x4d: {  	_ =	shalt  }
0x4e: {  	_ =	shalt  }
0x4f: {  	_ =	shalt  }
0x50: {  	_ =	shalt  }
0x51: {  	_ =	shalt  }
0x52: {  	_ =	shalt  }
0x53: {  	_ =	shalt  }
0x54: {  	_ =	shalt  }
0x55: {  	_ =	shalt  }
0x56: {  	_ =	shalt  }
0x57: {  	_ =	shalt  }
0x58: {  	_ =	shalt  }
0x59: {  	_ =	shalt  }
0x5a: {  	_ =	shalt  }
0x5b: {  	_ =	shalt  }
0x5c: {  	_ =	shalt  }
0x5d: {  	_ =	shalt  }
0x5e: {  	_ =	shalt  }
0x5f: {  	_ =	shalt  }
0x60: {  	_ =	shalt  }
0x61: {  	_ =	shalt  }
0x62: {  	_ =	shalt  }
0x63: {  	_ =	shalt  }
0x64: {  	_ =	shalt  }
0x65: {  	_ =	shalt  }
0x66: {  	_ =	shalt  }
0x67: {  	_ =	shalt  }
0x68: {  	_ =	shalt  }
0x69: {  	_ =	shalt  }
0x6a: {  	_ =	shalt  }
0x6b: {  	_ =	shalt  }
0x6c: {  	_ =	shalt  }
0x6d: {  	_ =	shalt  }
0x6e: {  	_ =	shalt  }
0x6f: {  	_ =	shalt  }
0x70: {  	_ =	shalt  }
0x71: {  	_ =	shalt  }
0x72: {  	_ =	shalt  }
0x73: {  	_ =	shalt  }
0x74: {  	_ =	shalt  }
0x75: {  	_ =	shalt  }
0x76: {  	_ =	shalt  }
0x77: {  	_ =	shalt  }
0x78: {  	_ =	shalt  }
0x79: {  	_ =	shalt  }
0x7a: {  	_ =	shalt  }
0x7b: {  	_ =	shalt  }
0x7c: {  	_ =	shalt  }
0x7d: {  	_ =	shalt  }
0x7e: {  	_ =	shalt  }
0x7f: {  	_ =	shalt  }
0x80: {  	_ =	shalt  }
0x81: {  	_ =	shalt  }
0x82: {  	_ =	shalt  }
0x83: {  	_ =	shalt  }
0x84: {  	_ =	shalt  }
0x85: {  	_ =	shalt  }
0x86: {  	_ =	shalt  }
0x87: {  	_ =	shalt  }
.Lfunc_end0:
.L_simem_size_0:
called_computation.2_lowered:
.L_overlay_start_0:
0x88: {  	s2 =	sld [smem:$0x3FD9]  }
0x89: {  	s3 =	sld [smem:$0x3FFE];
	_ =	sdelay $0x1  }
0x8a: {  	s1 =	srdreg.scid  }
0x8b: {  	s0 =	sand.u32 $0x1, s1  }
0x8c: {  	s17 =	sshll.u32 s0, $0xA;
	s2 =	sadd.s32 s3, s2  }
0x8d: {  	s2 =	sadd.s32 s2, s17  }
0x8e: {  	[smem:$0x3FC0] =	sst s2  }
0x8f: {  	_ = 	snop  }
0x90: {  	s2 =	sld [smem:$0x3FD0];
	(tm) =	ssettm $0x1  }
0x91: {  	s18 =	sld [smem:$0x3FFB];
	_ =	sdelay $0x3  }
0x92: {  	_ =	strace s18  }
0x93: {  	s3 =	sld [smem:$0x3FFC];
	_ =	sdelay $0x3  }
0x94: {  	_ =	strace s3  }
0x95: {  	s3 =	sld [smem:$0x3FFD];
	_ =	sdelay $0x3  }
0x96: {  	_ =	strace s3  }
0x97: {  	_ =	strace $0x8FFFFFFF  }
0x98: {  	s19 =	sld [smem:$0x3FDB];
	_ =	sdelay $0x1  }
0x99: {  	s4 =	simm.s32 $_scs_section_size  }
0x9a: {  	s5 =	simm.s32 $_size__tile_overlayer_lowered;
	s6 =	simm.s32 $_tile_overlayer_lowered  }
0x9b: {  	s22 =	simm.s32 $0x1BFF;
	s21 =	sshll.u32 s6, $0x1;
	s3 =	sadd.s32 s4, s19  }
0x9c: {  	s7 =	simm.s32 $0x0;
	s20 =	sshll.u32 s5, $0x1;
	s5 =	sadd.s32 s21, s3  }
0x9d: {  	[timem:s7], [sflag:s22] =	dma.local [hbm:s5], s20  }
0x9e: {  	_ =	swait.ge [sflag:s22], s20  }
0x9f: {  	s4 =	ssub.s32 $0x0, s20;
	[sflag:s22] =	ssyncset.done $0x0  }
0xa0: {  	[sflag:s22] =	ssyncadd.s32 s4;
	_ =	sdelay $0x1  }
0xa1: {  	s23 =	simm.s32 $0x1B8B  }
0xa2: {  	_ =	swait.ge [sflag:s23], $0x1  }
0xa3: {  	[sflag:s23] =	ssyncset.done $0x0  }
0xa4: {  	s25 =	simm.s32 $0x1B8E;
	s24 =	sld [smem:$0x3FFE];
	[sflag:s23] =	ssyncadd.s32 $0xFFFFFFFF  }
0xa5: {  	s26 =	simm.s32 $execute0_lowered;
	[smem:$0x3FD2] =	sst s25  }
0xa6: {  	s5 =	sshll.u32 s26, $0x1;
	_ =	strace $0x8000004C;
	[dreg:$0x1] =	wrdreg $0xFFFFFFFF  }
0xa7: {  	s28 =	simm.s32 $_size_execute0_lowered;
	s3 =	sadd.s32 s3, s5;
	[dreg:$0x0] =	wrdreg $0x0  }
0xa8: {  	s5 =	sshll.u32 s28, $0x1;
	[dreg:$0x2] =	wrdreg s3  }
0xa9: {  	[dreg:$0x3] =	wrdreg s5  }
0xaa: {  	[dreg:$0x4] =	wrdreg $0xC0  }
0xab: {  	_ =	task [dreg:s7], $0x5FFFF  }
0xac: {  	[dreg:$0x1] =	wrdreg $0xFFFFFFFF  }
0xad: {  	[dreg:$0x0] =	wrdreg $0x60  }
0xae: {  	[dreg:$0x2] =	wrdreg s24  }
0xaf: {  	[dreg:$0x3] =	wrdreg s2  }
0xb0: {  	[dreg:$0x4] =	wrdreg $0x41000  }
0xb1: {  	[dreg:$0x5] =	wrdreg $0x9  }
0xb2: {  	_ =	task.clear_ibuf [dreg:s7], $0x6FFFF;
	_ =	strace $0x9000004C  }
0xb3: {  	s29 =	simm.s32 $0x9;
	_ =	strace $0x8000004E  }
0xb4: {  	_ =	swait.ge [sflag:s29], $0x1  }
0xb5: {  	[sflag:s29] =	ssyncadd.s32 $0xFFFFFFFF  }
0xb6: {  	_ =	strace $0x9000004E  }
0xb7: {  	_ =	sfence  }
0xb8: {  	s30 =	sld [smem:$0x0];
	_ =	sdelay $0x2  }
0xb9: {  	s31 =	sshll.u32 s1, $0xD;
	s1 =	sshrl.u32 s1, $0x2  }
0xba: {  	s3 =	sand.u32 $0x4000, s31;
	s1 =	sadd.s32 s1, s30  }
0xbb: {  	s0 =	sor.u32 s3, s0;
	s1 =	sshll.u32 s1, $0x11  }
0xbc: {  	s0 =	sor.u32 s1, s0  }
0xbd: {  	s0 =	sadd.s32 $0x8F2B, s0  }
0xbe: {  	[sflag:s0] =	ssyncadd.remote.s32 $0x1  }
0xbf: {  	_ =	sfence.sel $0xFFFF  }
0xc0: {  	[dreg:$0x0] =	wrdreg $0xFFFFFFFF;
	(pc) =	sbr.abs _section_cstart, $3  }
0xc1: {  	[dreg:$0x1] =	wrdreg $0xFFFFFFFF  }
0xc2: {  	_ =	task.clear_ibuf [dreg:s7], $0x2FFFF;
	_ =	strace $0x9FFFFFFF  }
0xc3: {  	(tm) =	ssettm $0x7FFFFFFF  }
tec
execute0_lowered:
.L_overlay_start_1:
0x0: {  	(tag) =	ssettag $0x1  }
0x1: {  	s5 =	rddreg [dreg:$0x0]  }
0x2: {  	s8 =	rddreg [dreg:$0x1]  }
0x3: {  	s0 =	srdreg.scid;
	s1 =	stileid.u32  }
0x4: {  	s2 =	rddreg [dreg:$0x2];
	s7 =	smul.u32 $0x14000, s1  }
0x5: {  	s3 =	simm.s32 $0x0;
	s15 =	simm.s32 $0x1;
	s13 =	smul.u32 $0x50000, s1  }
0x6: {  	s6 =	sand.u32 $0x1, s0;
	s0 =	rddreg [dreg:$0x3];
	s31 =	smul.u32 $0x4F0, s1  }
0x7: {  	s16 =	simm.s32 $0x0;
	[smem:$0x7FF] =	sst s3;
	s9 =	smul.u32 $0x4F00, s6  }
0x8: {  	s4 =	sadd.s32 $0xDE00, s5;
	s30 =	sshll.u32 s1, $0x6;
	s10 =	smul.u32 $0x140000, s6  }
0x9: {  	_ =	strace $0x8000004D;
	s6 =	ssub.s32 $0x2, s6;
	s12 =	sshrl.u32 s7, $0x3  }
0xa: {  	s28 =	sshrl.u32 s6, $0x1;
	s29 =	sshrl.u32 s13, $0x2;
	s13 =	simm.s32 $0x80  }
0xb: {  	s11 =	sadd.s32 s9, s5;
	s7 =	sadd.s32 s7, s10;
	s12 =	sadd.s32 s12, s5  }
0xc: {  	s10 =	ssub.s32 s6, s28;
	s14 =	sadd.s32 s29, s2;
	s6 =	sor.u32 $0x1C02, s30  }
0xd: {  	s9 =	sadd.s32 s9, s8;
	s7 =	sshrl.u32 s7, $0x3;
	s11 =	sadd.s32 s31, s11  }
0xe: {  	s8 =	smax.u32 s10, $0x1;
	s9 =	sadd.s32 s31, s9;
	s7 =	sadd.s32 s7, s5  }
0xf: {  	s5 =	sadd.s32 $0x35000, s12;
	s10 =	sadd.s32 $0x4000, s11;
	s11 =	sshrl.u32 s14, $0x3  }
0x10: {  	s12 =	simm.s32 $0x2;
	s14 =	simm.s32 $0x100;
	s7 =	sadd.s32 $0x5D000, s7  }
.LBB2_1:
0x11: {  	[spmem:s11], [sflag:s6] =	dma.local [hbm:s5], $0x2800  }
0x12: {  	_ =	swait.ge [sflag:s12], $0x2800  }
0x13: {  	[sflag:s12] =	ssyncset.done $0x0  }
0x14: {  	[sflag:s12] =	ssyncadd.s32 $0xFFFFD800  }
0x15: {  	s17 =	sadd.s32 $0x0, s10;
	[bflag:$0x0] =	sbarrier.arrive $0xFFFF  }
0x16: {  	[tilespmem:s3], [sflag:$0x2] =	stream.linear.gather [hbm4b:s17+s3], $0x80, $0x38;
	[tilespmem:$0x18100] =	vst v63  }
0x17: {  	_ =	swait.ge [sflag:s12], $0x80  }
0x18: {  	[sflag:s12] =	ssyncset.done $0x0  }
0x19: {  	s31 =	sadd.s32 $0x0, s9;
	[sflag:s12] =	ssyncadd.s32 $0xFFFFFF80  }
0x1a: {  	[tilespmem:s13], [sflag:$0x2] =	stream.linear.gather [hbm4b:s31+s3], $0x80, $0x38;
	[tilespmem:$0x18100] =	vst v63  }
0x1b: {  	_ =	swait.ge [sflag:s12], $0x80  }
0x1c: {  	[sflag:s12] =	ssyncset.done $0x0  }
0x1d: {  	[sflag:s12] =	ssyncadd.s32 $0xFFFFFF80  }
0x1e: {  	[tilespmem:s14], [sflag:$0x1] =	stream.indirect.gather [hbm4b:s4+s13], $0x80, s3, s13, $0xb8;
	[tilespmem:$0x18100] =	vst v63  }
0x1f: {  	_ =	swait.ge [sflag:s15], $0x4000  }
0x20: {  	[sflag:s15] =	ssyncset.done $0x0  }
0x21: {  	[sflag:s15] =	ssyncadd.s32 $0xFFFFC000  }
0x22: {  	[spmem:s2] =	stream.indirect.scatter.add.f32 [tilespmem:s14], [sflag:$0x2], $0x80, s13, s13, $0xb8;
	[tilespmem:$0x18100] =	vst v63  }
0x23: {  	_ =	swait.ge [sflag:s12], $0x4000  }
0x24: {  	s18 =	simm.s32 $0x20;
	s17 =	simm.s32 $0x10;
	[sflag:s12] =	ssyncset.done $0x0  }
.LBB2_2:
0x25: {  	s19 =	sadd.s32 s17, s10  }
0x26: {  	[sflag:s12] =	ssyncadd.s32 $0xFFFFC000;
	s20 =	smov.u32 s18;
	s21 =	sadd.s32 $0x10, s18  }
0x27: {  	[tilespmem:s3], [sflag:$0x2] =	stream.linear.gather [hbm4b:s19+s3], $0x80, $0x38;
	[tilespmem:$0x18100] =	vst v63  }
0x28: {  	p0 =	sne.s32 s18, $0x4E0;
	_ =	swait.ge [sflag:s12], $0x80  }
0x29: {  	[sflag:s12] =	ssyncset.done $0x0  }
0x2a: {  	s18 =	sadd.s32 s17, s9;
	s17 =	smov.u32 s20;
	[sflag:s12] =	ssyncadd.s32 $0xFFFFFF80  }
0x2b: {  	[tilespmem:s13], [sflag:$0x2] =	stream.linear.gather [hbm4b:s18+s3], $0x80, $0x38;
	[tilespmem:$0x18100] =	vst v63  }
0x2c: {  	_ =	swait.ge [sflag:s12], $0x80  }
0x2d: {  	[sflag:s12] =	ssyncset.done $0x0  }
0x2e: {  	[sflag:s12] =	ssyncadd.s32 $0xFFFFFF80  }
0x2f: {  	[tilespmem:s14], [sflag:$0x1] =	stream.indirect.gather [hbm4b:s4+s13], $0x80, s3, s13, $0xb8;
	[tilespmem:$0x18100] =	vst v63  }
0x30: {  	_ =	swait.ge [sflag:s15], $0x4000  }
.Ltmp0:
0x31: {  	[sflag:s15] =	ssyncset.done $0x0;
	(pc) =	sbr.rel @p0 .LBB2_2-.Ltmp0, $4  }
0x32: {  	[sflag:s15] =	ssyncadd.s32 $0xFFFFC000  }
0x33: {  	[spmem:s2] =	stream.indirect.scatter.add.f32 [tilespmem:s14], [sflag:$0x2], $0x80, s13, s13, $0xb8;
	[tilespmem:$0x18100] =	vst v63  }
0x34: {  	_ =	swait.ge [sflag:s12], $0x4000  }
0x35: {  	s18 =	smov.u32 s21;
	[sflag:s12] =	ssyncset.done $0x0  }
0x36: {  	s18 =	sadd.s32 s17, s10;
	[sflag:s12] =	ssyncadd.s32 $0xFFFFC000  }
0x37: {  	[tilespmem:s3], [sflag:$0x2] =	stream.linear.gather [hbm4b:s18+s3], $0x80, $0x38;
	[tilespmem:$0x18100] =	vst v63  }
0x38: {  	_ =	swait.ge [sflag:s12], $0x80  }
0x39: {  	[sflag:s12] =	ssyncset.done $0x0  }
0x3a: {  	s31 =	sadd.s32 s17, s9;
	[sflag:s12] =	ssyncadd.s32 $0xFFFFFF80  }
0x3b: {  	[tilespmem:s13], [sflag:$0x2] =	stream.linear.gather [hbm4b:s31+s3], $0x80, $0x38;
	[tilespmem:$0x18100] =	vst v63  }
0x3c: {  	_ =	swait.ge [sflag:s12], $0x80  }
0x3d: {  	[sflag:s12] =	ssyncset.done $0x0  }
0x3e: {  	[sflag:s12] =	ssyncadd.s32 $0xFFFFFF80  }
0x3f: {  	[tilespmem:s14], [sflag:$0x1] =	stream.indirect.gather [hbm4b:s4+s13], $0x80, s3, s13, $0xb8;
	[tilespmem:$0x18100] =	vst v63  }
0x40: {  	_ =	swait.ge [sflag:s15], $0x4000  }
0x41: {  	[sflag:s15] =	ssyncset.done $0x0  }
0x42: {  	[sflag:s15] =	ssyncadd.s32 $0xFFFFC000  }
0x43: {  	[spmem:s2] =	stream.indirect.scatter.add.f32 [tilespmem:s14], [sflag:$0x2], $0x80, s13, s13, $0xb8;
	[tilespmem:$0x18100] =	vst v63  }
0x44: {  	_ =	swait.ge [sflag:s12], $0x4000  }
0x45: {  	s16 =	sadd.s32 $0x1, s16;
	[sflag:s12] =	ssyncset.done $0x0  }
0x46: {  	p0 =	sne.s32 s16, s8;
	[sflag:s12] =	ssyncadd.s32 $0xFFFFC000  }
.Ltmp1:
0x47: {  	[bflag:$0x0] =	sbarrier.arrive $0xFFFF;
	(pc) =	sbr.rel @p0 .LBB2_1-.Ltmp1, $4  }
0x48: {  	[hbm:s7], [sflag:s6] =	dma.local [spmem:s11], $0x2800  }
0x49: {  	_ =	swait.ge [sflag:s12], $0x2800  }
0x4a: {  	[sflag:s12] =	ssyncset.done $0x0  }
0x4b: {  	[sflag:s12] =	ssyncadd.s32 $0xFFFFD800  }
0x4c: {  	_ =	sfence.sel $0x180000  }
0x4d: {  	[bflag:$0x0] =	sbarrier.arrive $0xFFFF  }
0x4e: {  	p0 =	sne.s32 s1, $0x0;
	_ =	strace $0x9000004D  }
0x4f: {  	s0 =	sadd.s32 @!p0 $0x100000, s0;
	[bflag:$0x2] =	sbarrier.arrive $0xFFFF  }
0x50: {  	[sflag:s0] =	ssyncadd.tile.s32 @!p0 $0x1;
	_ =	shalt  }
.Lfunc_end2:
_tile_overlayer_lowered:
.L_overlay_start_2:
0x51: {  	(tag) =	ssettag $0x2  }
0x52: {  	s0 =	rddreg [dreg:$0x0];
	s2 =	stileid.u32  }
0x53: {  	s1 =	rddreg [dreg:$0x1];
	p0 =	sne.s32 s2, $0x0  }
0x54: {  	s3 =	rddreg [dreg:$0x2];
	[bflag:$0x3] =	sbarrier.arrive $0xFFFF;
	s2 =	simm.s32 @!p0 $0x1C02  }
0x55: {  	[timem:s3], [sflag:s2] =	dma.local @!p0 [hbm:s0], s1  }
0x56: {  	s0 =	simm.s32 @!p0 $0x2  }
0x57: {  	_ =	swait.ge @!p0 [sflag:s0], s1  }
0x58: {  	s1 =	ssub.s32 @!p0 $0x0, s1;
	[sflag:s0] =	ssyncset.done @!p0 $0x0  }
0x59: {  	[sflag:s0] =	ssyncadd.s32 @!p0 s1  }
0x5a: {  	[bflag:$0x3] =	sbarrier.arrive $0xFFFF  }
0x5b: {  	_ =	shalt  }

// kernel: kernel.21.cloned.1.call-start
scs
__scs_entry_jumppad:
0x0: {  	(pc) =	sbr.rel $0x88, $3  }
0x1: {  	(tag) =	ssettag $0x0;
	lr =	simm.s32 $0x1  }
0x2: {  	[smem:$0x3F99] =	sst lr;
	_ =	strace $0xD0000000  }
0x3: {  	_ = 	snop  }
0x4: {  	_ = 	snop  }
0x5: {  	_ = 	snop  }
0x6: {  	_ = 	snop  }
0x7: {  	_ = 	snop  }
__scs_overlays_trampoline_lowered:
0x8: {  	[smem:$0x3FA8] =	sst s0  }
0x9: {  	[smem:$0x3FA9] =	sst s1  }
0xa: {  	[smem:$0x3FAA] =	sst s2  }
0xb: {  	[smem:$0x3FAB] =	sst s3  }
0xc: {  	[smem:$0x3FAC] =	sst s4  }
0xd: {  	[smem:$0x3FAD] =	sst s5  }
0xe: {  	[smem:$0x3FAE] =	sst s6  }
0xf: {  	[smem:$0x3FAF] =	sst s7  }
0x10: {  	[smem:$0x3FB0] =	sst s8  }
0x11: {  	[smem:$0x3FB1] =	sst s9;
	s0 =	simm.s32 @!p0 $0x0  }
0x12: {  	s1 =	sld [smem:$0x3F97];
	s0 =	simm.s32 @p0 $0x1  }
0x13: {  	[smem:$0x3FB2] =	sst s0;
	s0 =	simm.s32 @!p1 $0x0  }
0x14: {  	s2 =	sld [smem:$0x3F96];
	s0 =	simm.s32 @p1 $0x1  }
0x15: {  	[smem:$0x3FB3] =	sst s0;
	s0 =	simm.s32 @!p2 $0x0  }
0x16: {  	s3 =	sld [smem:$0x3FDB];
	s0 =	simm.s32 @p2 $0x1  }
0x17: {  	s4 =	simm.s32 $0x1BF5;
	[smem:$0x3FB5] =	sst s0  }
0x18: {  	s0 =	sld [smem:$0x3F98];
	_ =	swait.ge [sflag:s4], $0x0  }
0x19: {  	s7 =	sld [smem:$0x3F99]  }
0x1a: {  	s8 =	sadd.s32 $0xFFFFE003, lr  }
0x1b: {  	s9 =	sadd.s32 $0xFFFFFEF7, lr;
	s5 =	simm.s32 $0xFFFFFFFF;
	p2 =	slt.u32 s8, $0xFFFFF086  }
0x1c: {  	p1 =	slt.u32 s9, $0xF7A;
	s5 =	simm.s32 @!p2 $0x0  }
0x1d: {  	s5 =	simm.s32 @p1 $0x1;
	p0 =	seq.s32 s7, s2  }
0x1e: {  	s7 =	smul.u32 @!p0 $0xF7A, s2;
	p2 =	seq.s32 @!p0 s5, $0x0  }
0x1f: {  	s9 =	smul.u32 $0xF7A, s1;
	s8 =	simm.s32 @!p0 $0x1BF5;
	p2 =	por !p2, p0  }
0x20: {  	[sflag:s8] =	ssyncset.s32 @!p0 $0xFFFFF086;
	s6 =	sadd.s32 @!p0 s3, s7;
	s7 =	simm.s32 @!p0 $0x108  }
0x21: {  	s3 =	sadd.s32 s3, s9;
	s6 =	sadd.s32 @!p0 $0x88, s6;
	s7 =	simm.s32 @p2 $0x1082  }
0x22: {  	[simem:s7], [sflag:s8] =	dma.local @!p0 [hbm:s6], $0xF7A  }
0x23: {  	s9 =	sor.u32 $0xD0000000, s2;
	s6 =	simm.s32 $0x108;
	_ =	swait.ge @!p0 [sflag:s8], $0x0  }
0x24: {  	s3 =	sadd.s32 $0x88, s3;
	s6 =	simm.s32 @!p1 $0x1082;
	[sflag:s4] =	ssyncset.s32 $0xFFFFF086  }
0x25: {  	[simem:s6], [sflag:s4] =	dma.local [hbm:s3], $0xF7A  }
0x26: {  	[smem:$0x3F99] =	sst s1;
	(tag) =	ssettag s2;
	_ =	strace s9  }
0x27: {  	s1 =	sld [smem:$0x3FA9]  }
0x28: {  	s2 =	sld [smem:$0x3FAA]  }
0x29: {  	s4 =	sld [smem:$0x3FAC]  }
0x2a: {  	p0 =	seq.s32 s5, $0x0;
	s5 =	sld [smem:$0x3FAD]  }
0x2b: {  	s6 =	sld [smem:$0x3FAE]  }
0x2c: {  	s7 =	sld [smem:$0x3FAF]  }
0x2d: {  	s3 =	simm.s32 $0x108;
	s8 =	sld [smem:$0x3FB0]  }
0x2e: {  	s3 =	simm.s32 @!p0 $0x1082;
	s9 =	sld [smem:$0x3FB1]  }
0x2f: {  	lr =	sadd.s32 s0, s3;
	s0 =	sld [smem:$0x3FA8]  }
0x30: {  	s3 =	sld [smem:$0x3FAB]  }
0x31: {  	[smem:$0x3FB4] =	sst s10  }
0x32: {  	s10 =	sld [smem:$0x3FB2];
	_ =	sdelay $0x3  }
0x33: {  	p0 =	seq.s32 s10, $0x1;
	s10 =	sld [smem:$0x3FB4];
	_ =	sdelay $0x3  }
0x34: {  	[smem:$0x3FB4] =	sst s10  }
0x35: {  	s10 =	sld [smem:$0x3FB3];
	_ =	sdelay $0x3  }
0x36: {  	p1 =	seq.s32 s10, $0x1;
	s10 =	sld [smem:$0x3FB4];
	_ =	sdelay $0x3  }
0x37: {  	[smem:$0x3FB4] =	sst s10  }
0x38: {  	s10 =	sld [smem:$0x3FB5]  }
0x39: {  	_ = 	snop;
	(pc) =	sbr.ind lr, $3  }
0x3a: {  	_ = 	snop  }
0x3b: {  	_ = 	snop  }
0x3c: {  	p2 =	seq.s32 s10, $0x1;
	s10 =	sld [smem:$0x3FB4]  }
0x3d: {  	_ =	shalt  }
0x3e: {  	_ =	shalt  }
0x3f: {  	_ =	shalt  }
0x40: {  	_ =	shalt  }
0x41: {  	_ =	shalt  }
0x42: {  	_ =	shalt  }
0x43: {  	_ =	shalt  }
0x44: {  	_ =	shalt  }
0x45: {  	_ =	shalt  }
0x46: {  	_ =	shalt  }
0x47: {  	_ =	shalt  }
0x48: {  	_ =	shalt  }
0x49: {  	_ =	shalt  }
0x4a: {  	_ =	shalt  }
0x4b: {  	_ =	shalt  }
0x4c: {  	_ =	shalt  }
0x4d: {  	_ =	shalt  }
0x4e: {  	_ =	shalt  }
0x4f: {  	_ =	shalt  }
0x50: {  	_ =	shalt  }
0x51: {  	_ =	shalt  }
0x52: {  	_ =	shalt  }
0x53: {  	_ =	shalt  }
0x54: {  	_ =	shalt  }
0x55: {  	_ =	shalt  }
0x56: {  	_ =	shalt  }
0x57: {  	_ =	shalt  }
0x58: {  	_ =	shalt  }
0x59: {  	_ =	shalt  }
0x5a: {  	_ =	shalt  }
0x5b: {  	_ =	shalt  }
0x5c: {  	_ =	shalt  }
0x5d: {  	_ =	shalt  }
0x5e: {  	_ =	shalt  }
0x5f: {  	_ =	shalt  }
0x60: {  	_ =	shalt  }
0x61: {  	_ =	shalt  }
0x62: {  	_ =	shalt  }
0x63: {  	_ =	shalt  }
0x64: {  	_ =	shalt  }
0x65: {  	_ =	shalt  }
0x66: {  	_ =	shalt  }
0x67: {  	_ =	shalt  }
0x68: {  	_ =	shalt  }
0x69: {  	_ =	shalt  }
0x6a: {  	_ =	shalt  }
0x6b: {  	_ =	shalt  }
0x6c: {  	_ =	shalt  }
0x6d: {  	_ =	shalt  }
0x6e: {  	_ =	shalt  }
0x6f: {  	_ =	shalt  }
0x70: {  	_ =	shalt  }
0x71: {  	_ =	shalt  }
0x72: {  	_ =	shalt  }
0x73: {  	_ =	shalt  }
0x74: {  	_ =	shalt  }
0x75: {  	_ =	shalt  }
0x76: {  	_ =	shalt  }
0x77: {  	_ =	shalt  }
0x78: {  	_ =	shalt  }
0x79: {  	_ =	shalt  }
0x7a: {  	_ =	shalt  }
0x7b: {  	_ =	shalt  }
0x7c: {  	_ =	shalt  }
0x7d: {  	_ =	shalt  }
0x7e: {  	_ =	shalt  }
0x7f: {  	_ =	shalt  }
0x80: {  	_ =	shalt  }
0x81: {  	_ =	shalt  }
0x82: {  	_ =	shalt  }
0x83: {  	_ =	shalt  }
0x84: {  	_ =	shalt  }
0x85: {  	_ =	shalt  }
0x86: {  	_ =	shalt  }
0x87: {  	_ =	shalt  }
.Lfunc_end0:
.L_simem_size_0:
called_computation.3_lowered:
.L_overlay_start_0:
0x88: {  	s2 =	sld [smem:$0x3FD9]  }
0x89: {  	s3 =	sld [smem:$0x3FFE];
	_ =	sdelay $0x1  }
0x8a: {  	s1 =	srdreg.scid  }
0x8b: {  	s0 =	sand.u32 $0x1, s1  }
0x8c: {  	s17 =	sshll.u32 s0, $0xA;
	s2 =	sadd.s32 s3, s2  }
0x8d: {  	s2 =	sadd.s32 s2, s17  }
0x8e: {  	[smem:$0x3FC0] =	sst s2  }
0x8f: {  	_ = 	snop  }
0x90: {  	s2 =	sld [smem:$0x3FD0];
	(tm) =	ssettm $0x1  }
0x91: {  	s18 =	sld [smem:$0x3FFB];
	_ =	sdelay $0x3  }
0x92: {  	_ =	strace s18  }
0x93: {  	s3 =	sld [smem:$0x3FFC];
	_ =	sdelay $0x3  }
0x94: {  	_ =	strace s3  }
0x95: {  	s3 =	sld [smem:$0x3FFD];
	_ =	sdelay $0x3  }
0x96: {  	_ =	strace s3  }
0x97: {  	_ =	strace $0x8FFFFFFF  }
0x98: {  	s19 =	sld [smem:$0x3FDB];
	_ =	sdelay $0x1  }
0x99: {  	s4 =	simm.s32 $_scs_section_size  }
0x9a: {  	s5 =	simm.s32 $_size__tile_overlayer_lowered;
	s6 =	simm.s32 $_tile_overlayer_lowered  }
0x9b: {  	s22 =	simm.s32 $0x1BFF;
	s21 =	sshll.u32 s6, $0x1;
	s3 =	sadd.s32 s4, s19  }
0x9c: {  	s7 =	simm.s32 $0x0;
	s20 =	sshll.u32 s5, $0x1;
	s5 =	sadd.s32 s21, s3  }
0x9d: {  	[timem:s7], [sflag:s22] =	dma.local [hbm:s5], s20  }
0x9e: {  	_ =	swait.ge [sflag:s22], s20  }
0x9f: {  	s4 =	ssub.s32 $0x0, s20;
	[sflag:s22] =	ssyncset.done $0x0  }
0xa0: {  	[sflag:s22] =	ssyncadd.s32 s4;
	_ =	sdelay $0x1  }
0xa1: {  	s23 =	simm.s32 $0x1B8B  }
0xa2: {  	_ =	swait.ge [sflag:s23], $0x1  }
0xa3: {  	[sflag:s23] =	ssyncset.done $0x0  }
0xa4: {  	s25 =	simm.s32 $0x1B8E;
	s24 =	sld [smem:$0x3FFE];
	[sflag:s23] =	ssyncadd.s32 $0xFFFFFFFF  }
0xa5: {  	s26 =	simm.s32 $execute0_lowered;
	[smem:$0x3FD2] =	sst s25  }
0xa6: {  	s5 =	sshll.u32 s26, $0x1;
	_ =	strace $0x8000004F;
	[dreg:$0x1] =	wrdreg $0xFFFFFFFF  }
0xa7: {  	s28 =	simm.s32 $_size_execute0_lowered;
	s3 =	sadd.s32 s3, s5;
	[dreg:$0x0] =	wrdreg $0x0  }
0xa8: {  	s5 =	sshll.u32 s28, $0x1;
	[dreg:$0x2] =	wrdreg s3  }
0xa9: {  	[dreg:$0x3] =	wrdreg s5  }
0xaa: {  	[dreg:$0x4] =	wrdreg $0xC0  }
0xab: {  	_ =	task [dreg:s7], $0x5FFFF  }
0xac: {  	[dreg:$0x1] =	wrdreg $0xFFFFFFFF  }
0xad: {  	[dreg:$0x0] =	wrdreg $0x60  }
0xae: {  	[dreg:$0x2] =	wrdreg s24  }
0xaf: {  	[dreg:$0x3] =	wrdreg s2  }
0xb0: {  	[dreg:$0x4] =	wrdreg $0x41000  }
0xb1: {  	[dreg:$0x5] =	wrdreg $0x9  }
0xb2: {  	_ =	task.clear_ibuf [dreg:s7], $0x6FFFF;
	_ =	strace $0x9000004F  }
0xb3: {  	s29 =	simm.s32 $0x9;
	_ =	strace $0x80000051  }
0xb4: {  	_ =	swait.ge [sflag:s29], $0x1  }
0xb5: {  	[sflag:s29] =	ssyncadd.s32 $0xFFFFFFFF  }
0xb6: {  	_ =	strace $0x90000051  }
0xb7: {  	_ =	sfence  }
0xb8: {  	s30 =	sld [smem:$0x0];
	_ =	sdelay $0x2  }
0xb9: {  	s31 =	sshll.u32 s1, $0xD;
	s1 =	sshrl.u32 s1, $0x2  }
0xba: {  	s3 =	sand.u32 $0x4000, s31;
	s1 =	sadd.s32 s1, s30  }
0xbb: {  	s0 =	sor.u32 s3, s0;
	s1 =	sshll.u32 s1, $0x11  }
0xbc: {  	s0 =	sor.u32 s1, s0  }
0xbd: {  	s0 =	sadd.s32 $0x8F2B, s0  }
0xbe: {  	[sflag:s0] =	ssyncadd.remote.s32 $0x1  }
0xbf: {  	_ =	sfence.sel $0xFFFF  }
0xc0: {  	[dreg:$0x0] =	wrdreg $0xFFFFFFFF;
	(pc) =	sbr.abs _section_cstart, $3  }
0xc1: {  	[dreg:$0x1] =	wrdreg $0xFFFFFFFF  }
0xc2: {  	_ =	task.clear_ibuf [dreg:s7], $0x2FFFF;
	_ =	strace $0x9FFFFFFF  }
0xc3: {  	(tm) =	ssettm $0x7FFFFFFF  }
tec
execute0_lowered:
.L_overlay_start_1:
0x0: {  	(tag) =	ssettag $0x1  }
0x1: {  	s5 =	rddreg [dreg:$0x0]  }
0x2: {  	s8 =	rddreg [dreg:$0x1]  }
0x3: {  	s0 =	srdreg.scid;
	s1 =	stileid.u32  }
0x4: {  	s2 =	rddreg [dreg:$0x2];
	s7 =	smul.u32 $0x14000, s1  }
0x5: {  	s3 =	simm.s32 $0x0;
	s15 =	simm.s32 $0x1;
	s13 =	smul.u32 $0x50000, s1  }
0x6: {  	s6 =	sand.u32 $0x1, s0;
	s0 =	rddreg [dreg:$0x3];
	s31 =	smul.u32 $0x4F0, s1  }
0x7: {  	s16 =	simm.s32 $0x0;
	[smem:$0x7FF] =	sst s3;
	s9 =	smul.u32 $0x4F00, s6  }
0x8: {  	s4 =	sadd.s32 $0xDE00, s5;
	s30 =	sshll.u32 s1, $0x6;
	s10 =	smul.u32 $0x140000, s6  }
0x9: {  	_ =	strace $0x80000050;
	s6 =	ssub.s32 $0x2, s6;
	s12 =	sshrl.u32 s7, $0x3  }
0xa: {  	s28 =	sshrl.u32 s6, $0x1;
	s29 =	sshrl.u32 s13, $0x2;
	s13 =	simm.s32 $0x80  }
0xb: {  	s11 =	sadd.s32 s9, s5;
	s7 =	sadd.s32 s7, s10;
	s12 =	sadd.s32 s12, s5  }
0xc: {  	s10 =	ssub.s32 s6, s28;
	s14 =	sadd.s32 s29, s2;
	s6 =	sor.u32 $0x1C02, s30  }
0xd: {  	s9 =	sadd.s32 s9, s8;
	s7 =	sshrl.u32 s7, $0x3;
	s11 =	sadd.s32 s31, s11  }
0xe: {  	s8 =	smax.u32 s10, $0x1;
	s9 =	sadd.s32 s31, s9;
	s7 =	sadd.s32 s7, s5  }
0xf: {  	s5 =	sadd.s32 $0x35000, s12;
	s10 =	sadd.s32 $0x4000, s11;
	s11 =	sshrl.u32 s14, $0x3  }
0x10: {  	s12 =	simm.s32 $0x2;
	s14 =	simm.s32 $0x100;
	s7 =	sadd.s32 $0x5D000, s7  }
.LBB2_1:
0x11: {  	[spmem:s11], [sflag:s6] =	dma.local [hbm:s5], $0x2800  }
0x12: {  	_ =	swait.ge [sflag:s12], $0x2800  }
0x13: {  	[sflag:s12] =	ssyncset.done $0x0  }
0x14: {  	[sflag:s12] =	ssyncadd.s32 $0xFFFFD800  }
0x15: {  	s17 =	sadd.s32 $0x0, s10;
	[bflag:$0x0] =	sbarrier.arrive $0xFFFF  }
0x16: {  	[tilespmem:s3], [sflag:$0x2] =	stream.linear.gather [hbm4b:s17+s3], $0x80, $0x38;
	[tilespmem:$0x18100] =	vst v63  }
0x17: {  	_ =	swait.ge [sflag:s12], $0x80  }
0x18: {  	[sflag:s12] =	ssyncset.done $0x0  }
0x19: {  	s31 =	sadd.s32 $0x0, s9;
	[sflag:s12] =	ssyncadd.s32 $0xFFFFFF80  }
0x1a: {  	[tilespmem:s13], [sflag:$0x2] =	stream.linear.gather [hbm4b:s31+s3], $0x80, $0x38;
	[tilespmem:$0x18100] =	vst v63  }
0x1b: {  	_ =	swait.ge [sflag:s12], $0x80  }
0x1c: {  	[sflag:s12] =	ssyncset.done $0x0  }
0x1d: {  	[sflag:s12] =	ssyncadd.s32 $0xFFFFFF80  }
0x1e: {  	[tilespmem:s14], [sflag:$0x1] =	stream.indirect.gather [hbm4b:s4+s13], $0x80, s3, s13, $0xb8;
	[tilespmem:$0x18100] =	vst v63  }
0x1f: {  	_ =	swait.ge [sflag:s15], $0x4000  }
0x20: {  	[sflag:s15] =	ssyncset.done $0x0  }
0x21: {  	[sflag:s15] =	ssyncadd.s32 $0xFFFFC000  }
0x22: {  	[spmem:s2] =	stream.indirect.scatter.add.f32 [tilespmem:s14], [sflag:$0x2], $0x80, s13, s13, $0xb8;
	[tilespmem:$0x18100] =	vst v63  }
0x23: {  	_ =	swait.ge [sflag:s12], $0x4000  }
0x24: {  	s18 =	simm.s32 $0x20;
	s17 =	simm.s32 $0x10;
	[sflag:s12] =	ssyncset.done $0x0  }
.LBB2_2:
0x25: {  	s19 =	sadd.s32 s17, s10  }
0x26: {  	[sflag:s12] =	ssyncadd.s32 $0xFFFFC000;
	s20 =	smov.u32 s18;
	s21 =	sadd.s32 $0x10, s18  }
0x27: {  	[tilespmem:s3], [sflag:$0x2] =	stream.linear.gather [hbm4b:s19+s3], $0x80, $0x38;
	[tilespmem:$0x18100] =	vst v63  }
0x28: {  	p0 =	sne.s32 s18, $0x4E0;
	_ =	swait.ge [sflag:s12], $0x80  }
0x29: {  	[sflag:s12] =	ssyncset.done $0x0  }
0x2a: {  	s18 =	sadd.s32 s17, s9;
	s17 =	smov.u32 s20;
	[sflag:s12] =	ssyncadd.s32 $0xFFFFFF80  }
0x2b: {  	[tilespmem:s13], [sflag:$0x2] =	stream.linear.gather [hbm4b:s18+s3], $0x80, $0x38;
	[tilespmem:$0x18100] =	vst v63  }
0x2c: {  	_ =	swait.ge [sflag:s12], $0x80  }
0x2d: {  	[sflag:s12] =	ssyncset.done $0x0  }
0x2e: {  	[sflag:s12] =	ssyncadd.s32 $0xFFFFFF80  }
0x2f: {  	[tilespmem:s14], [sflag:$0x1] =	stream.indirect.gather [hbm4b:s4+s13], $0x80, s3, s13, $0xb8;
	[tilespmem:$0x18100] =	vst v63  }
0x30: {  	_ =	swait.ge [sflag:s15], $0x4000  }
.Ltmp0:
0x31: {  	[sflag:s15] =	ssyncset.done $0x0;
	(pc) =	sbr.rel @p0 .LBB2_2-.Ltmp0, $4  }
0x32: {  	[sflag:s15] =	ssyncadd.s32 $0xFFFFC000  }
0x33: {  	[spmem:s2] =	stream.indirect.scatter.add.f32 [tilespmem:s14], [sflag:$0x2], $0x80, s13, s13, $0xb8;
	[tilespmem:$0x18100] =	vst v63  }
0x34: {  	_ =	swait.ge [sflag:s12], $0x4000  }
0x35: {  	s18 =	smov.u32 s21;
	[sflag:s12] =	ssyncset.done $0x0  }
0x36: {  	s18 =	sadd.s32 s17, s10;
	[sflag:s12] =	ssyncadd.s32 $0xFFFFC000  }
0x37: {  	[tilespmem:s3], [sflag:$0x2] =	stream.linear.gather [hbm4b:s18+s3], $0x80, $0x38;
	[tilespmem:$0x18100] =	vst v63  }
0x38: {  	_ =	swait.ge [sflag:s12], $0x80  }
0x39: {  	[sflag:s12] =	ssyncset.done $0x0  }
0x3a: {  	s31 =	sadd.s32 s17, s9;
	[sflag:s12] =	ssyncadd.s32 $0xFFFFFF80  }
0x3b: {  	[tilespmem:s13], [sflag:$0x2] =	stream.linear.gather [hbm4b:s31+s3], $0x80, $0x38;
	[tilespmem:$0x18100] =	vst v63  }
0x3c: {  	_ =	swait.ge [sflag:s12], $0x80  }
0x3d: {  	[sflag:s12] =	ssyncset.done $0x0  }
0x3e: {  	[sflag:s12] =	ssyncadd.s32 $0xFFFFFF80  }
0x3f: {  	[tilespmem:s14], [sflag:$0x1] =	stream.indirect.gather [hbm4b:s4+s13], $0x80, s3, s13, $0xb8;
	[tilespmem:$0x18100] =	vst v63  }
0x40: {  	_ =	swait.ge [sflag:s15], $0x4000  }
0x41: {  	[sflag:s15] =	ssyncset.done $0x0  }
0x42: {  	[sflag:s15] =	ssyncadd.s32 $0xFFFFC000  }
0x43: {  	[spmem:s2] =	stream.indirect.scatter.add.f32 [tilespmem:s14], [sflag:$0x2], $0x80, s13, s13, $0xb8;
	[tilespmem:$0x18100] =	vst v63  }
0x44: {  	_ =	swait.ge [sflag:s12], $0x4000  }
0x45: {  	s16 =	sadd.s32 $0x1, s16;
	[sflag:s12] =	ssyncset.done $0x0  }
0x46: {  	p0 =	sne.s32 s16, s8;
	[sflag:s12] =	ssyncadd.s32 $0xFFFFC000  }
.Ltmp1:
0x47: {  	[bflag:$0x0] =	sbarrier.arrive $0xFFFF;
	(pc) =	sbr.rel @p0 .LBB2_1-.Ltmp1, $4  }
0x48: {  	[hbm:s7], [sflag:s6] =	dma.local [spmem:s11], $0x2800  }
0x49: {  	_ =	swait.ge [sflag:s12], $0x2800  }
0x4a: {  	[sflag:s12] =	ssyncset.done $0x0  }
0x4b: {  	[sflag:s12] =	ssyncadd.s32 $0xFFFFD800  }
0x4c: {  	_ =	sfence.sel $0x180000  }
0x4d: {  	[bflag:$0x0] =	sbarrier.arrive $0xFFFF  }
0x4e: {  	p0 =	sne.s32 s1, $0x0;
	_ =	strace $0x90000050  }
0x4f: {  	s0 =	sadd.s32 @!p0 $0x100000, s0;
	[bflag:$0x2] =	sbarrier.arrive $0xFFFF  }
0x50: {  	[sflag:s0] =	ssyncadd.tile.s32 @!p0 $0x1;
	_ =	shalt  }
.Lfunc_end2:
_tile_overlayer_lowered:
.L_overlay_start_2:
0x51: {  	(tag) =	ssettag $0x2  }
0x52: {  	s0 =	rddreg [dreg:$0x0];
	s2 =	stileid.u32  }
0x53: {  	s1 =	rddreg [dreg:$0x1];
	p0 =	sne.s32 s2, $0x0  }
0x54: {  	s3 =	rddreg [dreg:$0x2];
	[bflag:$0x3] =	sbarrier.arrive $0xFFFF;
	s2 =	simm.s32 @!p0 $0x1C02  }
0x55: {  	[timem:s3], [sflag:s2] =	dma.local @!p0 [hbm:s0], s1  }
0x56: {  	s0 =	simm.s32 @!p0 $0x2  }
0x57: {  	_ =	swait.ge @!p0 [sflag:s0], s1  }
0x58: {  	s1 =	ssub.s32 @!p0 $0x0, s1;
	[sflag:s0] =	ssyncset.done @!p0 $0x0  }
0x59: {  	[sflag:s0] =	ssyncadd.s32 @!p0 s1  }
0x5a: {  	[bflag:$0x3] =	sbarrier.arrive $0xFFFF  }
0x5b: {  	_ =	shalt  }

// kernel: kernel.24.cloned.1.call-start
scs
__scs_entry_jumppad:
0x0: {  	(pc) =	sbr.rel $0x88, $3  }
0x1: {  	(tag) =	ssettag $0x0;
	lr =	simm.s32 $0x1  }
0x2: {  	[smem:$0x3F99] =	sst lr;
	_ =	strace $0xD0000000  }
0x3: {  	_ = 	snop  }
0x4: {  	_ = 	snop  }
0x5: {  	_ = 	snop  }
0x6: {  	_ = 	snop  }
0x7: {  	_ = 	snop  }
__scs_overlays_trampoline_lowered:
0x8: {  	[smem:$0x3FA8] =	sst s0  }
0x9: {  	[smem:$0x3FA9] =	sst s1  }
0xa: {  	[smem:$0x3FAA] =	sst s2  }
0xb: {  	[smem:$0x3FAB] =	sst s3  }
0xc: {  	[smem:$0x3FAC] =	sst s4  }
0xd: {  	[smem:$0x3FAD] =	sst s5  }
0xe: {  	[smem:$0x3FAE] =	sst s6  }
0xf: {  	[smem:$0x3FAF] =	sst s7  }
0x10: {  	[smem:$0x3FB0] =	sst s8  }
0x11: {  	[smem:$0x3FB1] =	sst s9;
	s0 =	simm.s32 @!p0 $0x0  }
0x12: {  	s1 =	sld [smem:$0x3F97];
	s0 =	simm.s32 @p0 $0x1  }
0x13: {  	[smem:$0x3FB2] =	sst s0;
	s0 =	simm.s32 @!p1 $0x0  }
0x14: {  	s2 =	sld [smem:$0x3F96];
	s0 =	simm.s32 @p1 $0x1  }
0x15: {  	[smem:$0x3FB3] =	sst s0;
	s0 =	simm.s32 @!p2 $0x0  }
0x16: {  	s3 =	sld [smem:$0x3FDB];
	s0 =	simm.s32 @p2 $0x1  }
0x17: {  	s4 =	simm.s32 $0x1BF5;
	[smem:$0x3FB5] =	sst s0  }
0x18: {  	s0 =	sld [smem:$0x3F98];
	_ =	swait.ge [sflag:s4], $0x0  }
0x19: {  	s7 =	sld [smem:$0x3F99]  }
0x1a: {  	s8 =	sadd.s32 $0xFFFFE003, lr  }
0x1b: {  	s9 =	sadd.s32 $0xFFFFFEF7, lr;
	s5 =	simm.s32 $0xFFFFFFFF;
	p2 =	slt.u32 s8, $0xFFFFF086  }
0x1c: {  	p1 =	slt.u32 s9, $0xF7A;
	s5 =	simm.s32 @!p2 $0x0  }
0x1d: {  	s5 =	simm.s32 @p1 $0x1;
	p0 =	seq.s32 s7, s2  }
0x1e: {  	s7 =	smul.u32 @!p0 $0xF7A, s2;
	p2 =	seq.s32 @!p0 s5, $0x0  }
0x1f: {  	s9 =	smul.u32 $0xF7A, s1;
	s8 =	simm.s32 @!p0 $0x1BF5;
	p2 =	por !p2, p0  }
0x20: {  	[sflag:s8] =	ssyncset.s32 @!p0 $0xFFFFF086;
	s6 =	sadd.s32 @!p0 s3, s7;
	s7 =	simm.s32 @!p0 $0x108  }
0x21: {  	s3 =	sadd.s32 s3, s9;
	s6 =	sadd.s32 @!p0 $0x88, s6;
	s7 =	simm.s32 @p2 $0x1082  }
0x22: {  	[simem:s7], [sflag:s8] =	dma.local @!p0 [hbm:s6], $0xF7A  }
0x23: {  	s9 =	sor.u32 $0xD0000000, s2;
	s6 =	simm.s32 $0x108;
	_ =	swait.ge @!p0 [sflag:s8], $0x0  }
0x24: {  	s3 =	sadd.s32 $0x88, s3;
	s6 =	simm.s32 @!p1 $0x1082;
	[sflag:s4] =	ssyncset.s32 $0xFFFFF086  }
0x25: {  	[simem:s6], [sflag:s4] =	dma.local [hbm:s3], $0xF7A  }
0x26: {  	[smem:$0x3F99] =	sst s1;
	(tag) =	ssettag s2;
	_ =	strace s9  }
0x27: {  	s1 =	sld [smem:$0x3FA9]  }
0x28: {  	s2 =	sld [smem:$0x3FAA]  }
0x29: {  	s4 =	sld [smem:$0x3FAC]  }
0x2a: {  	p0 =	seq.s32 s5, $0x0;
	s5 =	sld [smem:$0x3FAD]  }
0x2b: {  	s6 =	sld [smem:$0x3FAE]  }
0x2c: {  	s7 =	sld [smem:$0x3FAF]  }
0x2d: {  	s3 =	simm.s32 $0x108;
	s8 =	sld [smem:$0x3FB0]  }
0x2e: {  	s3 =	simm.s32 @!p0 $0x1082;
	s9 =	sld [smem:$0x3FB1]  }
0x2f: {  	lr =	sadd.s32 s0, s3;
	s0 =	sld [smem:$0x3FA8]  }
0x30: {  	s3 =	sld [smem:$0x3FAB]  }
0x31: {  	[smem:$0x3FB4] =	sst s10  }
0x32: {  	s10 =	sld [smem:$0x3FB2];
	_ =	sdelay $0x3  }
0x33: {  	p0 =	seq.s32 s10, $0x1;
	s10 =	sld [smem:$0x3FB4];
	_ =	sdelay $0x3  }
0x34: {  	[smem:$0x3FB4] =	sst s10  }
0x35: {  	s10 =	sld [smem:$0x3FB3];
	_ =	sdelay $0x3  }
0x36: {  	p1 =	seq.s32 s10, $0x1;
	s10 =	sld [smem:$0x3FB4];
	_ =	sdelay $0x3  }
0x37: {  	[smem:$0x3FB4] =	sst s10  }
0x38: {  	s10 =	sld [smem:$0x3FB5]  }
0x39: {  	_ = 	snop;
	(pc) =	sbr.ind lr, $3  }
0x3a: {  	_ = 	snop  }
0x3b: {  	_ = 	snop  }
0x3c: {  	p2 =	seq.s32 s10, $0x1;
	s10 =	sld [smem:$0x3FB4]  }
0x3d: {  	_ =	shalt  }
0x3e: {  	_ =	shalt  }
0x3f: {  	_ =	shalt  }
0x40: {  	_ =	shalt  }
0x41: {  	_ =	shalt  }
0x42: {  	_ =	shalt  }
0x43: {  	_ =	shalt  }
0x44: {  	_ =	shalt  }
0x45: {  	_ =	shalt  }
0x46: {  	_ =	shalt  }
0x47: {  	_ =	shalt  }
0x48: {  	_ =	shalt  }
0x49: {  	_ =	shalt  }
0x4a: {  	_ =	shalt  }
0x4b: {  	_ =	shalt  }
0x4c: {  	_ =	shalt  }
0x4d: {  	_ =	shalt  }
0x4e: {  	_ =	shalt  }
0x4f: {  	_ =	shalt  }
0x50: {  	_ =	shalt  }
0x51: {  	_ =	shalt  }
0x52: {  	_ =	shalt  }
0x53: {  	_ =	shalt  }
0x54: {  	_ =	shalt  }
0x55: {  	_ =	shalt  }
0x56: {  	_ =	shalt  }
0x57: {  	_ =	shalt  }
0x58: {  	_ =	shalt  }
0x59: {  	_ =	shalt  }
0x5a: {  	_ =	shalt  }
0x5b: {  	_ =	shalt  }
0x5c: {  	_ =	shalt  }
0x5d: {  	_ =	shalt  }
0x5e: {  	_ =	shalt  }
0x5f: {  	_ =	shalt  }
0x60: {  	_ =	shalt  }
0x61: {  	_ =	shalt  }
0x62: {  	_ =	shalt  }
0x63: {  	_ =	shalt  }
0x64: {  	_ =	shalt  }
0x65: {  	_ =	shalt  }
0x66: {  	_ =	shalt  }
0x67: {  	_ =	shalt  }
0x68: {  	_ =	shalt  }
0x69: {  	_ =	shalt  }
0x6a: {  	_ =	shalt  }
0x6b: {  	_ =	shalt  }
0x6c: {  	_ =	shalt  }
0x6d: {  	_ =	shalt  }
0x6e: {  	_ =	shalt  }
0x6f: {  	_ =	shalt  }
0x70: {  	_ =	shalt  }
0x71: {  	_ =	shalt  }
0x72: {  	_ =	shalt  }
0x73: {  	_ =	shalt  }
0x74: {  	_ =	shalt  }
0x75: {  	_ =	shalt  }
0x76: {  	_ =	shalt  }
0x77: {  	_ =	shalt  }
0x78: {  	_ =	shalt  }
0x79: {  	_ =	shalt  }
0x7a: {  	_ =	shalt  }
0x7b: {  	_ =	shalt  }
0x7c: {  	_ =	shalt  }
0x7d: {  	_ =	shalt  }
0x7e: {  	_ =	shalt  }
0x7f: {  	_ =	shalt  }
0x80: {  	_ =	shalt  }
0x81: {  	_ =	shalt  }
0x82: {  	_ =	shalt  }
0x83: {  	_ =	shalt  }
0x84: {  	_ =	shalt  }
0x85: {  	_ =	shalt  }
0x86: {  	_ =	shalt  }
0x87: {  	_ =	shalt  }
.Lfunc_end0:
.L_simem_size_0:
called_computation.4_lowered:
.L_overlay_start_0:
0x88: {  	s2 =	sld [smem:$0x3FD9]  }
0x89: {  	s3 =	sld [smem:$0x3FFE];
	_ =	sdelay $0x1  }
0x8a: {  	s1 =	srdreg.scid  }
0x8b: {  	s0 =	sand.u32 $0x1, s1  }
0x8c: {  	s17 =	sshll.u32 s0, $0xA;
	s2 =	sadd.s32 s3, s2  }
0x8d: {  	s2 =	sadd.s32 s2, s17  }
0x8e: {  	[smem:$0x3FC0] =	sst s2  }
0x8f: {  	_ = 	snop  }
0x90: {  	s2 =	sld [smem:$0x3FD0];
	(tm) =	ssettm $0x1  }
0x91: {  	s18 =	sld [smem:$0x3FFB];
	_ =	sdelay $0x3  }
0x92: {  	_ =	strace s18  }
0x93: {  	s3 =	sld [smem:$0x3FFC];
	_ =	sdelay $0x3  }
0x94: {  	_ =	strace s3  }
0x95: {  	s3 =	sld [smem:$0x3FFD];
	_ =	sdelay $0x3  }
0x96: {  	_ =	strace s3  }
0x97: {  	_ =	strace $0x8FFFFFFF  }
0x98: {  	s19 =	sld [smem:$0x3FDB];
	_ =	sdelay $0x1  }
0x99: {  	s4 =	simm.s32 $_scs_section_size  }
0x9a: {  	s5 =	simm.s32 $_size__tile_overlayer_lowered;
	s6 =	simm.s32 $_tile_overlayer_lowered  }
0x9b: {  	s22 =	simm.s32 $0x1BFF;
	s21 =	sshll.u32 s6, $0x1;
	s3 =	sadd.s32 s4, s19  }
0x9c: {  	s7 =	simm.s32 $0x0;
	s20 =	sshll.u32 s5, $0x1;
	s5 =	sadd.s32 s21, s3  }
0x9d: {  	[timem:s7], [sflag:s22] =	dma.local [hbm:s5], s20  }
0x9e: {  	_ =	swait.ge [sflag:s22], s20  }
0x9f: {  	s4 =	ssub.s32 $0x0, s20;
	[sflag:s22] =	ssyncset.done $0x0  }
0xa0: {  	[sflag:s22] =	ssyncadd.s32 s4;
	_ =	sdelay $0x1  }
0xa1: {  	s23 =	simm.s32 $0x1B8B  }
0xa2: {  	_ =	swait.ge [sflag:s23], $0x1  }
0xa3: {  	[sflag:s23] =	ssyncset.done $0x0  }
0xa4: {  	s25 =	simm.s32 $0x1B8E;
	s24 =	sld [smem:$0x3FFE];
	[sflag:s23] =	ssyncadd.s32 $0xFFFFFFFF  }
0xa5: {  	s26 =	simm.s32 $execute0_lowered;
	[smem:$0x3FD2] =	sst s25  }
0xa6: {  	s5 =	sshll.u32 s26, $0x1;
	_ =	strace $0x80000052;
	[dreg:$0x1] =	wrdreg $0xFFFFFFFF  }
0xa7: {  	s28 =	simm.s32 $_size_execute0_lowered;
	s3 =	sadd.s32 s3, s5;
	[dreg:$0x0] =	wrdreg $0x0  }
0xa8: {  	s5 =	sshll.u32 s28, $0x1;
	[dreg:$0x2] =	wrdreg s3  }
0xa9: {  	[dreg:$0x3] =	wrdreg s5  }
0xaa: {  	[dreg:$0x4] =	wrdreg $0xC0  }
0xab: {  	_ =	task [dreg:s7], $0x5FFFF  }
0xac: {  	[dreg:$0x1] =	wrdreg $0xFFFFFFFF  }
0xad: {  	[dreg:$0x0] =	wrdreg $0x60  }
0xae: {  	[dreg:$0x2] =	wrdreg s24  }
0xaf: {  	[dreg:$0x3] =	wrdreg s2  }
0xb0: {  	[dreg:$0x4] =	wrdreg $0x41000  }
0xb1: {  	[dreg:$0x5] =	wrdreg $0x9  }
0xb2: {  	_ =	task.clear_ibuf [dreg:s7], $0x6FFFF;
	_ =	strace $0x90000052  }
0xb3: {  	s29 =	simm.s32 $0x9;
	_ =	strace $0x80000054  }
0xb4: {  	_ =	swait.ge [sflag:s29], $0x1  }
0xb5: {  	[sflag:s29] =	ssyncadd.s32 $0xFFFFFFFF  }
0xb6: {  	_ =	strace $0x90000054  }
0xb7: {  	_ =	sfence  }
0xb8: {  	s30 =	sld [smem:$0x0];
	_ =	sdelay $0x2  }
0xb9: {  	s31 =	sshll.u32 s1, $0xD;
	s1 =	sshrl.u32 s1, $0x2  }
0xba: {  	s3 =	sand.u32 $0x4000, s31;
	s1 =	sadd.s32 s1, s30  }
0xbb: {  	s0 =	sor.u32 s3, s0;
	s1 =	sshll.u32 s1, $0x11  }
0xbc: {  	s0 =	sor.u32 s1, s0  }
0xbd: {  	s0 =	sadd.s32 $0x8F2B, s0  }
0xbe: {  	[sflag:s0] =	ssyncadd.remote.s32 $0x1  }
0xbf: {  	_ =	sfence.sel $0xFFFF  }
0xc0: {  	[dreg:$0x0] =	wrdreg $0xFFFFFFFF;
	(pc) =	sbr.abs _section_cstart, $3  }
0xc1: {  	[dreg:$0x1] =	wrdreg $0xFFFFFFFF  }
0xc2: {  	_ =	task.clear_ibuf [dreg:s7], $0x2FFFF;
	_ =	strace $0x9FFFFFFF  }
0xc3: {  	(tm) =	ssettm $0x7FFFFFFF  }
tec
execute0_lowered:
.L_overlay_start_1:
0x0: {  	(tag) =	ssettag $0x1  }
0x1: {  	s5 =	rddreg [dreg:$0x0]  }
0x2: {  	s8 =	rddreg [dreg:$0x1]  }
0x3: {  	s0 =	srdreg.scid;
	s1 =	stileid.u32  }
0x4: {  	s2 =	rddreg [dreg:$0x2];
	s7 =	smul.u32 $0x14000, s1  }
0x5: {  	s3 =	simm.s32 $0x0;
	s15 =	simm.s32 $0x1;
	s13 =	smul.u32 $0x50000, s1  }
0x6: {  	s6 =	sand.u32 $0x1, s0;
	s0 =	rddreg [dreg:$0x3];
	s31 =	smul.u32 $0x4F0, s1  }
0x7: {  	s16 =	simm.s32 $0x0;
	[smem:$0x7FF] =	sst s3;
	s9 =	smul.u32 $0x4F00, s6  }
0x8: {  	s4 =	sadd.s32 $0xDE00, s5;
	s30 =	sshll.u32 s1, $0x6;
	s10 =	smul.u32 $0x140000, s6  }
0x9: {  	_ =	strace $0x80000053;
	s6 =	ssub.s32 $0x2, s6;
	s12 =	sshrl.u32 s7, $0x3  }
0xa: {  	s28 =	sshrl.u32 s6, $0x1;
	s29 =	sshrl.u32 s13, $0x2;
	s13 =	simm.s32 $0x80  }
0xb: {  	s11 =	sadd.s32 s9, s5;
	s7 =	sadd.s32 s7, s10;
	s12 =	sadd.s32 s12, s5  }
0xc: {  	s10 =	ssub.s32 s6, s28;
	s14 =	sadd.s32 s29, s2;
	s6 =	sor.u32 $0x1C02, s30  }
0xd: {  	s9 =	sadd.s32 s9, s8;
	s7 =	sshrl.u32 s7, $0x3;
	s11 =	sadd.s32 s31, s11  }
0xe: {  	s8 =	smax.u32 s10, $0x1;
	s9 =	sadd.s32 s31, s9;
	s7 =	sadd.s32 s7, s5  }
0xf: {  	s5 =	sadd.s32 $0x35000, s12;
	s10 =	sadd.s32 $0x4000, s11;
	s11 =	sshrl.u32 s14, $0x3  }
0x10: {  	s12 =	simm.s32 $0x2;
	s14 =	simm.s32 $0x100;
	s7 =	sadd.s32 $0x5D000, s7  }
.LBB2_1:
0x11: {  	[spmem:s11], [sflag:s6] =	dma.local [hbm:s5], $0x2800  }
0x12: {  	_ =	swait.ge [sflag:s12], $0x2800  }
0x13: {  	[sflag:s12] =	ssyncset.done $0x0  }
0x14: {  	[sflag:s12] =	ssyncadd.s32 $0xFFFFD800  }
0x15: {  	s17 =	sadd.s32 $0x0, s10;
	[bflag:$0x0] =	sbarrier.arrive $0xFFFF  }
0x16: {  	[tilespmem:s3], [sflag:$0x2] =	stream.linear.gather [hbm4b:s17+s3], $0x80, $0x38;
	[tilespmem:$0x18100] =	vst v63  }
0x17: {  	_ =	swait.ge [sflag:s12], $0x80  }
0x18: {  	[sflag:s12] =	ssyncset.done $0x0  }
0x19: {  	s31 =	sadd.s32 $0x0, s9;
	[sflag:s12] =	ssyncadd.s32 $0xFFFFFF80  }
0x1a: {  	[tilespmem:s13], [sflag:$0x2] =	stream.linear.gather [hbm4b:s31+s3], $0x80, $0x38;
	[tilespmem:$0x18100] =	vst v63  }
0x1b: {  	_ =	swait.ge [sflag:s12], $0x80  }
0x1c: {  	[sflag:s12] =	ssyncset.done $0x0  }
0x1d: {  	[sflag:s12] =	ssyncadd.s32 $0xFFFFFF80  }
0x1e: {  	[tilespmem:s14], [sflag:$0x1] =	stream.indirect.gather [hbm4b:s4+s13], $0x80, s3, s13, $0xb8;
	[tilespmem:$0x18100] =	vst v63  }
0x1f: {  	_ =	swait.ge [sflag:s15], $0x4000  }
0x20: {  	[sflag:s15] =	ssyncset.done $0x0  }
0x21: {  	[sflag:s15] =	ssyncadd.s32 $0xFFFFC000  }
0x22: {  	[spmem:s2] =	stream.indirect.scatter.add.f32 [tilespmem:s14], [sflag:$0x2], $0x80, s13, s13, $0xb8;
	[tilespmem:$0x18100] =	vst v63  }
0x23: {  	_ =	swait.ge [sflag:s12], $0x4000  }
0x24: {  	s18 =	simm.s32 $0x20;
	s17 =	simm.s32 $0x10;
	[sflag:s12] =	ssyncset.done $0x0  }
.LBB2_2:
0x25: {  	s19 =	sadd.s32 s17, s10  }
0x26: {  	[sflag:s12] =	ssyncadd.s32 $0xFFFFC000;
	s20 =	smov.u32 s18;
	s21 =	sadd.s32 $0x10, s18  }
0x27: {  	[tilespmem:s3], [sflag:$0x2] =	stream.linear.gather [hbm4b:s19+s3], $0x80, $0x38;
	[tilespmem:$0x18100] =	vst v63  }
0x28: {  	p0 =	sne.s32 s18, $0x4E0;
	_ =	swait.ge [sflag:s12], $0x80  }
0x29: {  	[sflag:s12] =	ssyncset.done $0x0  }
0x2a: {  	s18 =	sadd.s32 s17, s9;
	s17 =	smov.u32 s20;
	[sflag:s12] =	ssyncadd.s32 $0xFFFFFF80  }
0x2b: {  	[tilespmem:s13], [sflag:$0x2] =	stream.linear.gather [hbm4b:s18+s3], $0x80, $0x38;
	[tilespmem:$0x18100] =	vst v63  }
0x2c: {  	_ =	swait.ge [sflag:s12], $0x80  }
0x2d: {  	[sflag:s12] =	ssyncset.done $0x0  }
0x2e: {  	[sflag:s12] =	ssyncadd.s32 $0xFFFFFF80  }
0x2f: {  	[tilespmem:s14], [sflag:$0x1] =	stream.indirect.gather [hbm4b:s4+s13], $0x80, s3, s13, $0xb8;
	[tilespmem:$0x18100] =	vst v63  }
0x30: {  	_ =	swait.ge [sflag:s15], $0x4000  }
.Ltmp0:
0x31: {  	[sflag:s15] =	ssyncset.done $0x0;
	(pc) =	sbr.rel @p0 .LBB2_2-.Ltmp0, $4  }
0x32: {  	[sflag:s15] =	ssyncadd.s32 $0xFFFFC000  }
0x33: {  	[spmem:s2] =	stream.indirect.scatter.add.f32 [tilespmem:s14], [sflag:$0x2], $0x80, s13, s13, $0xb8;
	[tilespmem:$0x18100] =	vst v63  }
0x34: {  	_ =	swait.ge [sflag:s12], $0x4000  }
0x35: {  	s18 =	smov.u32 s21;
	[sflag:s12] =	ssyncset.done $0x0  }
0x36: {  	s18 =	sadd.s32 s17, s10;
	[sflag:s12] =	ssyncadd.s32 $0xFFFFC000  }
0x37: {  	[tilespmem:s3], [sflag:$0x2] =	stream.linear.gather [hbm4b:s18+s3], $0x80, $0x38;
	[tilespmem:$0x18100] =	vst v63  }
0x38: {  	_ =	swait.ge [sflag:s12], $0x80  }
0x39: {  	[sflag:s12] =	ssyncset.done $0x0  }
0x3a: {  	s31 =	sadd.s32 s17, s9;
	[sflag:s12] =	ssyncadd.s32 $0xFFFFFF80  }
0x3b: {  	[tilespmem:s13], [sflag:$0x2] =	stream.linear.gather [hbm4b:s31+s3], $0x80, $0x38;
	[tilespmem:$0x18100] =	vst v63  }
0x3c: {  	_ =	swait.ge [sflag:s12], $0x80  }
0x3d: {  	[sflag:s12] =	ssyncset.done $0x0  }
0x3e: {  	[sflag:s12] =	ssyncadd.s32 $0xFFFFFF80  }
0x3f: {  	[tilespmem:s14], [sflag:$0x1] =	stream.indirect.gather [hbm4b:s4+s13], $0x80, s3, s13, $0xb8;
	[tilespmem:$0x18100] =	vst v63  }
0x40: {  	_ =	swait.ge [sflag:s15], $0x4000  }
0x41: {  	[sflag:s15] =	ssyncset.done $0x0  }
0x42: {  	[sflag:s15] =	ssyncadd.s32 $0xFFFFC000  }
0x43: {  	[spmem:s2] =	stream.indirect.scatter.add.f32 [tilespmem:s14], [sflag:$0x2], $0x80, s13, s13, $0xb8;
	[tilespmem:$0x18100] =	vst v63  }
0x44: {  	_ =	swait.ge [sflag:s12], $0x4000  }
0x45: {  	s16 =	sadd.s32 $0x1, s16;
	[sflag:s12] =	ssyncset.done $0x0  }
0x46: {  	p0 =	sne.s32 s16, s8;
	[sflag:s12] =	ssyncadd.s32 $0xFFFFC000  }
.Ltmp1:
0x47: {  	[bflag:$0x0] =	sbarrier.arrive $0xFFFF;
	(pc) =	sbr.rel @p0 .LBB2_1-.Ltmp1, $4  }
0x48: {  	[hbm:s7], [sflag:s6] =	dma.local [spmem:s11], $0x2800  }
0x49: {  	_ =	swait.ge [sflag:s12], $0x2800  }
0x4a: {  	[sflag:s12] =	ssyncset.done $0x0  }
0x4b: {  	[sflag:s12] =	ssyncadd.s32 $0xFFFFD800  }
0x4c: {  	_ =	sfence.sel $0x180000  }
0x4d: {  	[bflag:$0x0] =	sbarrier.arrive $0xFFFF  }
0x4e: {  	p0 =	sne.s32 s1, $0x0;
	_ =	strace $0x90000053  }
0x4f: {  	s0 =	sadd.s32 @!p0 $0x100000, s0;
	[bflag:$0x2] =	sbarrier.arrive $0xFFFF  }
0x50: {  	[sflag:s0] =	ssyncadd.tile.s32 @!p0 $0x1;
	_ =	shalt  }
.Lfunc_end2:
_tile_overlayer_lowered:
.L_overlay_start_2:
0x51: {  	(tag) =	ssettag $0x2  }
0x52: {  	s0 =	rddreg [dreg:$0x0];
	s2 =	stileid.u32  }
0x53: {  	s1 =	rddreg [dreg:$0x1];
	p0 =	sne.s32 s2, $0x0  }
0x54: {  	s3 =	rddreg [dreg:$0x2];
	[bflag:$0x3] =	sbarrier.arrive $0xFFFF;
	s2 =	simm.s32 @!p0 $0x1C02  }
0x55: {  	[timem:s3], [sflag:s2] =	dma.local @!p0 [hbm:s0], s1  }
0x56: {  	s0 =	simm.s32 @!p0 $0x2  }
0x57: {  	_ =	swait.ge @!p0 [sflag:s0], s1  }
0x58: {  	s1 =	ssub.s32 @!p0 $0x0, s1;
	[sflag:s0] =	ssyncset.done @!p0 $0x0  }
0x59: {  	[sflag:s0] =	ssyncadd.s32 @!p0 s1  }
0x5a: {  	[bflag:$0x3] =	sbarrier.arrive $0xFFFF  }
0x5b: {  	_ =	shalt  }

</sc_bundles>
